<compile_context>
chip_gen: v7x
topology: tpu7x:2x2x1
jax: 0.10.2.dev20260603
libtpu: 0.0.44.dev20260713+nightly
codegen_flags: <defaults>
</compile_context>

<pallas_src>
import functools

import jax
import jax.numpy as jnp
from jax import lax
from jax.experimental import pallas as pl
from jax.experimental.pallas import tpu as pltpu
from jax.experimental.pallas import tpu_sc as plsc

N = 10000
E = 160000
IN_F = 128
HID = 64
ENC = 16
EPS = 1e-5

NC = 2
NS = 16
NW = NC * NS
CHUNK = 128
EP = ((E + NW * CHUNK - 1) // (NW * CHUNK)) * (NW * CHUNK)
NCHMAX = EP // (NW * CHUNK)
NROWS = 10240
TRASH = N
RPT = NROWS // NS


_PREC = jax.lax.Precision.DEFAULT


def _make_seg_sum(feat, nbuf):
    nvec = feat // 16
    NBUF = nbuf

    mesh = plsc.VectorSubcoreMesh(core_axis_name="c", subcore_axis_name="s")

    @functools.partial(
        pl.kernel,
        out_type=jax.ShapeDtypeStruct((NC, NROWS, feat), jnp.float32),
        mesh=mesh,
        compiler_params=pltpu.CompilerParams(use_tc_tiling_on_sc=False),
        scratch_types=[
            pltpu.VMEM((NCHMAX, CHUNK), jnp.int32),
            pltpu.VMEM((NCHMAX, CHUNK), jnp.int32),
            pltpu.VMEM((NBUF, CHUNK, feat), jnp.float32),
            pltpu.VMEM_SHARED((NROWS, feat), jnp.float32),
            [pltpu.SemaphoreType.DMA] * NBUF,
            [pltpu.SemaphoreType.DMA] * NBUF,
        ],
    )
    def seg(x_hbm, src_hbm, dst_hbm, out_hbm, src_v, dst_v, rows_v, acc_sh,
            gsem, ssem):
        c = lax.axis_index("c")
        s = lax.axis_index("s")

        def zb(k, _):
            i = k // nvec
            j = k - i * nvec
            rows_v[0, i, pl.ds(j * 16, 16)] = jnp.zeros((16,), jnp.float32)
            return 0

        lax.fori_loop(0, CHUNK * nvec, zb, 0)
        for k in range(RPT // CHUNK):
            pltpu.sync_copy(rows_v.at[0], acc_sh.at[pl.ds(s * RPT + k * CHUNK, CHUNK)])
        plsc.subcore_barrier()

        def _gather(j, b):
            pltpu.async_copy(x_hbm.at[src_v.at[j]], rows_v.at[b], gsem[b])

        def _gather_wait(j, b):
            pltpu.make_async_copy(x_hbm.at[src_v.at[j]], rows_v.at[b],
                                  gsem[b]).wait()

        def _scatter(j, b):
            pltpu.async_copy(rows_v.at[b], acc_sh.at[dst_v.at[j]],
                             ssem[b], add=True)

        def _scatter_wait(j, b):
            pltpu.make_async_copy(rows_v.at[b], acc_sh.at[dst_v.at[j]],
                                  ssem[b]).wait()

        def body(o, _):
            for b in range(NBUF):
                j = o * NBUF + b
                bp = (b - 1) % NBUF
                _gather_wait(j, b)
                _scatter(j, b)
                if b == 0:
                    @pl.when(o > 0)
                    def _():
                        _scatter_wait(j - 1, bp)
                else:
                    _scatter_wait(j - 1, bp)

                @pl.when(j + NBUF - 1 < NCHMAX)
                def _():
                    _gather(j + NBUF - 1, bp)
            return 0

        wid = c * NS + s
        pltpu.sync_copy(src_hbm.at[wid], src_v)
        pltpu.sync_copy(dst_hbm.at[wid], dst_v)
        for b in range(NBUF - 1):
            _gather(b, b)
        lax.fori_loop(0, NCHMAX // NBUF, body, 0)
        _scatter_wait(NCHMAX - 1, (NCHMAX - 1) % NBUF)
        plsc.subcore_barrier()

        pltpu.sync_copy(acc_sh.at[pl.ds(s * RPT, RPT)],
                        out_hbm.at[c, pl.ds(s * RPT, RPT)])

    return seg


_seg_sum_128 = _make_seg_sum(IN_F, 2)
_seg_sum_64 = _make_seg_sum(HID, 2)


def _make_dense_body(in_dim, out_dim, pad_to):
    def body(p_ref, w_ref, b_ref, g_ref, be_ref, o_ref):
        sm = p_ref[0, :N, :in_dim] + p_ref[1, :N, :in_dim]
        t = lax.dot_general(sm, w_ref[...], (((1,), (0,)), ((), ())),
                            preferred_element_type=jnp.float32, precision=_PREC)
        t = jnp.tanh(t + b_ref[...])
        mean = jnp.mean(t, axis=0, keepdims=True)
        var = jnp.mean((t - mean) ** 2, axis=0, keepdims=True)
        r = (t - mean) / jnp.sqrt(var + EPS) * g_ref[...] + be_ref[...]
        if pad_to > out_dim:
            o_ref[:, :out_dim] = r
            o_ref[:, out_dim:] = jnp.zeros((N, pad_to - out_dim), jnp.float32)
        else:
            o_ref[...] = r
    return body


def _dense(p, w, b, g, be, in_dim, out_dim, pad_to):
    return pl.pallas_call(
        _make_dense_body(in_dim, out_dim, pad_to),
        out_shape=jax.ShapeDtypeStruct((N, pad_to), jnp.float32),
    )(p, w, b.reshape(1, -1), g.reshape(1, -1), be.reshape(1, -1))


BI = 400
NI = N // BI


def _sigmoid(x):
    return 0.5 * jnp.tanh(0.5 * x) + 0.5


def _dstats_body(zi_ref, z_ref, st_ref):
    d = lax.dot_general(zi_ref[...], z_ref[...], (((1,), (1,)), ((), ())),
                        preferred_element_type=jnp.float32, precision=_PREC)
    d = _sigmoid(d)

    @pl.when(pl.program_id(0) == 0)
    def _():
        st_ref[...] = jnp.zeros_like(st_ref)

    st_ref[0:1, :] += jnp.sum(d, axis=0, keepdims=True)
    st_ref[1:2, :] += jnp.sum(d * d, axis=0, keepdims=True)


def _dnorm_body(zi_ref, z_ref, st_ref, gd_ref, bd_ref, o_ref):
    d = lax.dot_general(zi_ref[...], z_ref[...], (((1,), (1,)), ((), ())),
                        preferred_element_type=jnp.float32, precision=_PREC)
    d = _sigmoid(d)
    mean = st_ref[0:1, :] * (1.0 / N)
    var = st_ref[1:2, :] * (1.0 / N) - mean * mean
    o_ref[...] = (d - mean) / jnp.sqrt(var + EPS) * gd_ref[...] + bd_ref[...]


def _decode(z, gd, bd):
    stats = pl.pallas_call(
        _dstats_body,
        grid=(NI,),
        in_specs=[
            pl.BlockSpec((BI, ENC), lambda i: (i, 0)),
            pl.BlockSpec((N, ENC), lambda i: (0, 0)),
        ],
        out_specs=pl.BlockSpec((2, N), lambda i: (0, 0)),
        out_shape=jax.ShapeDtypeStruct((2, N), jnp.float32),
    )(z, z)
    return pl.pallas_call(
        _dnorm_body,
        grid=(NI,),
        in_specs=[
            pl.BlockSpec((BI, ENC), lambda i: (i, 0)),
            pl.BlockSpec((N, ENC), lambda i: (0, 0)),
            pl.BlockSpec((2, N), lambda i: (0, 0)),
            pl.BlockSpec((1, N), lambda i: (0, 0)),
            pl.BlockSpec((1, N), lambda i: (0, 0)),
        ],
        out_specs=pl.BlockSpec((BI, N), lambda i: (i, 0)),
        out_shape=jax.ShapeDtypeStruct((N, N), jnp.float32),
    )(z, z, stats, gd.reshape(1, N), bd.reshape(1, N))


def kernel(x, edge_index, W1, b1, g1, be1, W2, b2, g2, be2, gd, bd):
    src = edge_index[0]
    dst = edge_index[1]
    pad = EP - E
    srcp = jnp.concatenate([src, jnp.zeros((pad,), jnp.int32)]).reshape(NW, NCHMAX, CHUNK)
    dstp = jnp.concatenate([dst, jnp.full((pad,), TRASH, jnp.int32)]).reshape(NW, NCHMAX, CHUNK)

    p1 = _seg_sum_128(x, srcp, dstp)
    h = _dense(p1, W1, b1, g1, be1, IN_F, HID, HID)
    p2 = _seg_sum_64(h, srcp, dstp)
    z = _dense(p2, W2, b2, g2, be2, HID, ENC, ENC)
    d = _decode(z, gd, bd)
    return (d, z)

# --- scband reference (transcript-rebuilt; emitter-appended) ---
"""Pipeline reference for scband-gae-66279935312084 (READ-ONLY COPY).

The authoritative reference and input builder live on the scoring server;
editing this copy changes nothing except your own understanding.
"""

import jax, jax.numpy as jnp
import numpy as np

N = 10000
E = 160000
IN_F = 128
HID = 64
ENC = 16
EPS = 1e-5


def batchnorm(h, gamma, beta):
    # torch BatchNorm1d in training mode: batch stats, biased variance
    mean = jnp.mean(h, axis=0)
    var = jnp.var(h, axis=0)
    return (h - mean) / jnp.sqrt(var + EPS) * gamma + beta


def setup_inputs(seed: int = 0) -> dict:
    key = jax.random.key(seed)
    ks = jax.random.split(key, 6)
    x = jax.random.normal(ks[0], (N, IN_F), dtype=jnp.float32)
    edge_index = jax.random.randint(ks[1], (2, E), 0, N, dtype=jnp.int32)
    W1 = jax.random.normal(ks[2], (IN_F, HID), dtype=jnp.float32) * (1.0 / np.sqrt(IN_F))
    b1 = jnp.zeros((HID,), dtype=jnp.float32)
    g1 = jnp.ones((HID,), dtype=jnp.float32)
    be1 = jnp.zeros((HID,), dtype=jnp.float32)
    W2 = jax.random.normal(ks[3], (HID, ENC), dtype=jnp.float32) * (1.0 / np.sqrt(HID))
    b2 = jnp.zeros((ENC,), dtype=jnp.float32)
    g2 = jnp.ones((ENC,), dtype=jnp.float32)
    be2 = jnp.zeros((ENC,), dtype=jnp.float32)
    gd = jnp.ones((N,), dtype=jnp.float32)
    bd = jnp.zeros((N,), dtype=jnp.float32)
    return {"x": x, "edge_index": edge_index, "W1": W1, "b1": b1, "g1": g1, "be1": be1,
            "W2": W2, "b2": b2, "g2": g2, "be2": be2, "gd": gd, "bd": bd}


def reference(x, edge_index, W1, b1, g1, be1, W2, b2, g2, be2, gd, bd):
    # GAE.forward_2_layers with network_type='' (sum aggregation)
    src = edge_index[0]
    dst = edge_index[1]
    # EncoderLayer 1: copy_src + sum reduce, then linear -> tanh -> BN -> dropout(p=0)
    h = jax.ops.segment_sum(x[src], dst, num_segments=N)
    h = jnp.tanh(h @ W1 + b1)
    h = batchnorm(h, g1, be1)
    # EncoderLayer 2
    h2 = jax.ops.segment_sum(h[src], dst, num_segments=N)
    z = jnp.tanh(h2 @ W2 + b2)
    z = batchnorm(z, g2, be2)
    # DecoderLayer: z z^T -> sigmoid -> BN(num_features=N) -> dropout(p=0)
    d = z @ z.T
    d = jax.nn.sigmoid(d)
    d = batchnorm(d, gd, bd)
    return (d, z)

if __name__ == "__main__":
    import jax
    _d = setup_inputs()
    print(jax.jit(kernel)(*tuple(_d.values())))

</pallas_src>

<mosaic_0001>
#map = affine_map<(d0, d1) -> (0, 0)>
#map1 = affine_map<(d0, d1) -> (0, 0, 0)>
module attributes {stable_mosaic.version = 14 : i64} {
  func.func @seg(%arg0: i32, %arg1: i32, %arg2: memref<10000x128xf32, #tpu.memory_space<hbm>>, %arg3: memref<32x40x128xi32, #tpu.memory_space<hbm>>, %arg4: memref<32x40x128xi32, #tpu.memory_space<hbm>>, %arg5: memref<2x10240x128xf32, #tpu.memory_space<hbm>>, %arg6: memref<40x128xi32, #tpu.memory_space<vmem>>, %arg7: memref<40x128xi32, #tpu.memory_space<vmem>>, %arg8: memref<2x128x128xf32, #tpu.memory_space<vmem>>, %arg9: memref<10240x128xf32, #tpu.memory_space<vmem_shared>>, %arg10: memref<!tpu.dma_semaphore, #tpu.memory_space<semaphore_mem>>, %arg11: memref<!tpu.dma_semaphore, #tpu.memory_space<semaphore_mem>>, %arg12: memref<!tpu.dma_semaphore, #tpu.memory_space<semaphore_mem>>, %arg13: memref<!tpu.dma_semaphore, #tpu.memory_space<semaphore_mem>>) attributes {dimension_semantics = [#tpu.dimension_semantics<core_parallel>, #tpu.dimension_semantics<subcore_parallel>], iteration_bounds = array<i64: 2, 16>, scalar_prefetch = 0 : i64, scratch_operands = 8 : i64, tpu.core_type = #tpu.core_type<sc_vector_subcore>, window_params = [{transform_indices = #map}, {transform_indices = #map1}, {transform_indices = #map1}, {transform_indices = #map1}]} {
    %scan3A = arith.constant 0 : i32
    %scan3A_0 = arith.constant 0 : i32
    %scan3A_1 = arith.constant 1024 : i32
    %scan3A_2 = arith.addi %scan3A_0, %scan3A_1 : i32
    %scan3A_3 = arith.constant 1 : i32
    %scan3A_4 = scf.for %scan3A_65 = %scan3A_0 to %scan3A_2 step %scan3A_3 iter_args(%scan3A_66 = %scan3A) -> (i32)  : i32 {
      %jit3A = arith.constant 8 : i32
      %div3A = arith.divsi %scan3A_65, %jit3A : i32
      %sign3A = arith.constant 0 : i32
      %sign3A_67 = arith.cmpi sgt, %scan3A_65, %sign3A : i32
      %sign3A_68 = arith.extui %sign3A_67 : i1 to i32
      %sign3A_69 = arith.constant 0 : i32
      %sign3A_70 = arith.cmpi slt, %scan3A_65, %sign3A_69 : i32
      %sign3A_71 = arith.extui %sign3A_70 : i1 to i32
      %sign3A_72 = arith.subi %sign3A_68, %sign3A_71 : i32
      %sign3A_73 = arith.constant 0 : i32
      %sign3A_74 = arith.cmpi sgt, %jit3A, %sign3A_73 : i32
      %sign3A_75 = arith.extui %sign3A_74 : i1 to i32
      %sign3A_76 = arith.constant 0 : i32
      %sign3A_77 = arith.cmpi slt, %jit3A, %sign3A_76 : i32
      %sign3A_78 = arith.extui %sign3A_77 : i1 to i32
      %sign3A_79 = arith.subi %sign3A_75, %sign3A_78 : i32
      %ne3A = arith.cmpi ne, %sign3A_72, %sign3A_79 : i32
      %rem3A = arith.remsi %scan3A_65, %jit3A : i32
      %ne3A_80 = arith.constant 0 : i32
      %ne3A_81 = arith.cmpi ne, %rem3A, %ne3A_80 : i32
      %and3A = arith.andi %ne3A, %ne3A_81 : i1
      %sub3A = arith.constant 1 : i32
      %sub3A_82 = arith.subi %div3A, %sub3A : i32
      %select_n3A = arith.select %and3A, %sub3A_82, %div3A : i32
      %mul3A_83 = arith.constant 8 : i32
      %mul3A_84 = arith.muli %select_n3A, %mul3A_83 : i32
      %sub3A_85 = arith.subi %scan3A_65, %mul3A_84 : i32
      %broadcast_in_dim3A = arith.constant 0.000000e+00 : f32
      %broadcast_in_dim3A_86 = vector.broadcast %broadcast_in_dim3A : f32 to vector<16xf32>
      %mul3A_87 = arith.constant 16 : i32
      %mul3A_88 = arith.muli %sub3A_85, %mul3A_87 : i32
      %swap3A = arith.constant 0 : i32
      %swap3A_89 = arith.index_cast %swap3A : i32 to index
      %swap3A_90 = arith.index_cast %select_n3A : i32 to index
      %swap3A_91 = arith.index_cast %mul3A_88 : i32 to index
      %swap3A_92 = tpu.vector_load %arg8[%swap3A_89, %swap3A_90, %swap3A_91] {strides = array<i32>} : memref<2x128x128xf32, #tpu.memory_space<vmem>>, vector<1x1x16xf32>,
      %swap3A_93 = vector.shape_cast %swap3A_92 : vector<1x1x16xf32> to vector<16xf32>
      %swap3A_94 = vector.shape_cast %broadcast_in_dim3A_86 : vector<16xf32> to vector<1x1x16xf32>
      tpu.vector_store %arg8[%swap3A_89, %swap3A_90, %swap3A_91], %swap3A_94 {strides = array<i32>} : memref<2x128x128xf32, #tpu.memory_space<vmem>>, vector<1x1x16xf32>,
      %scan3A_95 = arith.constant 0 : i32
      scf.yield %scan3A_95 : i32
    }
    %scan3A_5 = arith.constant 1024 : i32
    %mul3A = arith.constant 640 : i32
    %mul3A_6 = arith.muli %arg1, %mul3A : i32
    %add3A = arith.constant 0 : i32
    %add3A_7 = arith.addi %mul3A_6, %add3A : i32
    %run_scoped3A = arith.constant 0 : i32
    "tpu.region"() ({
      %run_scoped3A_65 = tpu.sem_alloc : memref<!tpu.dma_semaphore, #tpu.memory_space<semaphore_mem>>
      %dma_start3A_66 = arith.constant 0 : i32
      %dma_start3A_67 = arith.constant 0 : i32
      %dma_start3A_68 = tpu.memref_slice %arg8[%run_scoped3A, %dma_start3A_66, %dma_start3A_67] : memref<2x128x128xf32, #tpu.memory_space<vmem>> -> memref<1x128x128xf32, #tpu.memory_space<vmem>>
      %dma_start3A_69 = tpu.memref_squeeze %dma_start3A_68 : memref<1x128x128xf32, #tpu.memory_space<vmem>> -> memref<128x128xf32, #tpu.memory_space<vmem>>
      %dma_start3A_70 = arith.constant 0 : i32
      %dma_start3A_71 = tpu.memref_slice %arg9[%add3A_7, %dma_start3A_70] : memref<10240x128xf32, #tpu.memory_space<vmem_shared>> -> memref<128x128xf32, #tpu.memory_space<vmem_shared>>
      %dma_start3A_72 = arith.constant 0 : i32
      %dma_start3A_73 = tpu.memref_slice %arg9[%add3A_7, %dma_start3A_72] : memref<10240x128xf32, #tpu.memory_space<vmem_shared>> -> memref<128x128xf32, #tpu.memory_space<vmem_shared>>
      %dma_start3A_74 = arith.constant 0 : i32
      %dma_start3A_75 = arith.constant 0 : i32
      %dma_start3A_76 = tpu.memref_slice %arg8[%run_scoped3A, %dma_start3A_74, %dma_start3A_75] : memref<2x128x128xf32, #tpu.memory_space<vmem>> -> memref<1x128x128xf32, #tpu.memory_space<vmem>>
      %dma_start3A_77 = tpu.memref_squeeze %dma_start3A_76 : memref<1x128x128xf32, #tpu.memory_space<vmem>> -> memref<128x128xf32, #tpu.memory_space<vmem>>
      tpu.enqueue_dma source(%dma_start3A_77 : memref<128x128xf32, #tpu.memory_space<vmem>>) target(%dma_start3A_73 : memref<128x128xf32, #tpu.memory_space<vmem_shared>>) target_semaphore(%run_scoped3A_65 : memref<!tpu.dma_semaphore, #tpu.memory_space<semaphore_mem>>)
      %dma_wait3A_78 = arith.constant 0 : i32
      %dma_wait3A_79 = arith.constant 0 : i32
      %dma_wait3A_80 = tpu.memref_slice %arg8[%run_scoped3A, %dma_wait3A_78, %dma_wait3A_79] : memref<2x128x128xf32, #tpu.memory_space<vmem>> -> memref<1x128x128xf32, #tpu.memory_space<vmem>>
      %dma_wait3A_81 = tpu.memref_squeeze %dma_wait3A_80 : memref<1x128x128xf32, #tpu.memory_space<vmem>> -> memref<128x128xf32, #tpu.memory_space<vmem>>
      %dma_wait3A_82 = arith.constant 0 : i32
      %dma_wait3A_83 = tpu.memref_slice %arg9[%add3A_7, %dma_wait3A_82] : memref<10240x128xf32, #tpu.memory_space<vmem_shared>> -> memref<128x128xf32, #tpu.memory_space<vmem_shared>>
      %dma_wait3A_84 = arith.constant 0 : i32
      %dma_wait3A_85 = tpu.memref_slice %arg9[%add3A_7, %dma_wait3A_84] : memref<10240x128xf32, #tpu.memory_space<vmem_shared>> -> memref<128x128xf32, #tpu.memory_space<vmem_shared>>
      %dma_wait3A_86 = arith.constant 0 : i32
      %dma_wait3A_87 = arith.constant 0 : i32
      %dma_wait3A_88 = tpu.memref_slice %arg8[%run_scoped3A, %dma_wait3A_86, %dma_wait3A_87] : memref<2x128x128xf32, #tpu.memory_space<vmem>> -> memref<1x128x128xf32, #tpu.memory_space<vmem>>
      %dma_wait3A_89 = tpu.memref_squeeze %dma_wait3A_88 : memref<1x128x128xf32, #tpu.memory_space<vmem>> -> memref<128x128xf32, #tpu.memory_space<vmem>>
      tpu.wait_dma2 semaphore(%run_scoped3A_65 : memref<!tpu.dma_semaphore, #tpu.memory_space<semaphore_mem>>) src(%dma_wait3A_89 : memref<128x128xf32, #tpu.memory_space<vmem>>) dst(%dma_wait3A_85 : memref<128x128xf32, #tpu.memory_space<vmem_shared>>)
      tpu.yield
    }) : () -> ()
    %mul3A_8 = arith.constant 640 : i32
    %mul3A_9 = arith.muli %arg1, %mul3A_8 : i32
    %add3A_10 = arith.constant 128 : i32
    %add3A_11 = arith.addi %mul3A_9, %add3A_10 : i32
    %run_scoped3A_12 = arith.constant 0 : i32
    "tpu.region"() ({
      %run_scoped3A_65 = tpu.sem_alloc : memref<!tpu.dma_semaphore, #tpu.memory_space<semaphore_mem>>
      %dma_start3A_66 = arith.constant 0 : i32
      %dma_start3A_67 = arith.constant 0 : i32
      %dma_start3A_68 = tpu.memref_slice %arg8[%run_scoped3A_12, %dma_start3A_66, %dma_start3A_67] : memref<2x128x128xf32, #tpu.memory_space<vmem>> -> memref<1x128x128xf32, #tpu.memory_space<vmem>>
      %dma_start3A_69 = tpu.memref_squeeze %dma_start3A_68 : memref<1x128x128xf32, #tpu.memory_space<vmem>> -> memref<128x128xf32, #tpu.memory_space<vmem>>
      %dma_start3A_70 = arith.constant 0 : i32
      %dma_start3A_71 = tpu.memref_slice %arg9[%add3A_11, %dma_start3A_70] : memref<10240x128xf32, #tpu.memory_space<vmem_shared>> -> memref<128x128xf32, #tpu.memory_space<vmem_shared>>
      %dma_start3A_72 = arith.constant 0 : i32
      %dma_start3A_73 = tpu.memref_slice %arg9[%add3A_11, %dma_start3A_72] : memref<10240x128xf32, #tpu.memory_space<vmem_shared>> -> memref<128x128xf32, #tpu.memory_space<vmem_shared>>
      %dma_start3A_74 = arith.constant 0 : i32
      %dma_start3A_75 = arith.constant 0 : i32
      %dma_start3A_76 = tpu.memref_slice %arg8[%run_scoped3A_12, %dma_start3A_74, %dma_start3A_75] : memref<2x128x128xf32, #tpu.memory_space<vmem>> -> memref<1x128x128xf32, #tpu.memory_space<vmem>>
      %dma_start3A_77 = tpu.memref_squeeze %dma_start3A_76 : memref<1x128x128xf32, #tpu.memory_space<vmem>> -> memref<128x128xf32, #tpu.memory_space<vmem>>
      tpu.enqueue_dma source(%dma_start3A_77 : memref<128x128xf32, #tpu.memory_space<vmem>>) target(%dma_start3A_73 : memref<128x128xf32, #tpu.memory_space<vmem_shared>>) target_semaphore(%run_scoped3A_65 : memref<!tpu.dma_semaphore, #tpu.memory_space<semaphore_mem>>)
      %dma_wait3A_78 = arith.constant 0 : i32
      %dma_wait3A_79 = arith.constant 0 : i32
      %dma_wait3A_80 = tpu.memref_slice %arg8[%run_scoped3A_12, %dma_wait3A_78, %dma_wait3A_79] : memref<2x128x128xf32, #tpu.memory_space<vmem>> -> memref<1x128x128xf32, #tpu.memory_space<vmem>>
      %dma_wait3A_81 = tpu.memref_squeeze %dma_wait3A_80 : memref<1x128x128xf32, #tpu.memory_space<vmem>> -> memref<128x128xf32, #tpu.memory_space<vmem>>
      %dma_wait3A_82 = arith.constant 0 : i32
      %dma_wait3A_83 = tpu.memref_slice %arg9[%add3A_11, %dma_wait3A_82] : memref<10240x128xf32, #tpu.memory_space<vmem_shared>> -> memref<128x128xf32, #tpu.memory_space<vmem_shared>>
      %dma_wait3A_84 = arith.constant 0 : i32
      %dma_wait3A_85 = tpu.memref_slice %arg9[%add3A_11, %dma_wait3A_84] : memref<10240x128xf32, #tpu.memory_space<vmem_shared>> -> memref<128x128xf32, #tpu.memory_space<vmem_shared>>
      %dma_wait3A_86 = arith.constant 0 : i32
      %dma_wait3A_87 = arith.constant 0 : i32
      %dma_wait3A_88 = tpu.memref_slice %arg8[%run_scoped3A_12, %dma_wait3A_86, %dma_wait3A_87] : memref<2x128x128xf32, #tpu.memory_space<vmem>> -> memref<1x128x128xf32, #tpu.memory_space<vmem>>
      %dma_wait3A_89 = tpu.memref_squeeze %dma_wait3A_88 : memref<1x128x128xf32, #tpu.memory_space<vmem>> -> memref<128x128xf32, #tpu.memory_space<vmem>>
      tpu.wait_dma2 semaphore(%run_scoped3A_65 : memref<!tpu.dma_semaphore, #tpu.memory_space<semaphore_mem>>) src(%dma_wait3A_89 : memref<128x128xf32, #tpu.memory_space<vmem>>) dst(%dma_wait3A_85 : memref<128x128xf32, #tpu.memory_space<vmem_shared>>)
      tpu.yield
    }) : () -> ()
    %mul3A_13 = arith.constant 640 : i32
    %mul3A_14 = arith.muli %arg1, %mul3A_13 : i32
    %add3A_15 = arith.constant 256 : i32
    %add3A_16 = arith.addi %mul3A_14, %add3A_15 : i32
    %run_scoped3A_17 = arith.constant 0 : i32
    "tpu.region"() ({
      %run_scoped3A_65 = tpu.sem_alloc : memref<!tpu.dma_semaphore, #tpu.memory_space<semaphore_mem>>
      %dma_start3A_66 = arith.constant 0 : i32
      %dma_start3A_67 = arith.constant 0 : i32
      %dma_start3A_68 = tpu.memref_slice %arg8[%run_scoped3A_17, %dma_start3A_66, %dma_start3A_67] : memref<2x128x128xf32, #tpu.memory_space<vmem>> -> memref<1x128x128xf32, #tpu.memory_space<vmem>>
      %dma_start3A_69 = tpu.memref_squeeze %dma_start3A_68 : memref<1x128x128xf32, #tpu.memory_space<vmem>> -> memref<128x128xf32, #tpu.memory_space<vmem>>
      %dma_start3A_70 = arith.constant 0 : i32
      %dma_start3A_71 = tpu.memref_slice %arg9[%add3A_16, %dma_start3A_70] : memref<10240x128xf32, #tpu.memory_space<vmem_shared>> -> memref<128x128xf32, #tpu.memory_space<vmem_shared>>
      %dma_start3A_72 = arith.constant 0 : i32
      %dma_start3A_73 = tpu.memref_slice %arg9[%add3A_16, %dma_start3A_72] : memref<10240x128xf32, #tpu.memory_space<vmem_shared>> -> memref<128x128xf32, #tpu.memory_space<vmem_shared>>
      %dma_start3A_74 = arith.constant 0 : i32
      %dma_start3A_75 = arith.constant 0 : i32
      %dma_start3A_76 = tpu.memref_slice %arg8[%run_scoped3A_17, %dma_start3A_74, %dma_start3A_75] : memref<2x128x128xf32, #tpu.memory_space<vmem>> -> memref<1x128x128xf32, #tpu.memory_space<vmem>>
      %dma_start3A_77 = tpu.memref_squeeze %dma_start3A_76 : memref<1x128x128xf32, #tpu.memory_space<vmem>> -> memref<128x128xf32, #tpu.memory_space<vmem>>
      tpu.enqueue_dma source(%dma_start3A_77 : memref<128x128xf32, #tpu.memory_space<vmem>>) target(%dma_start3A_73 : memref<128x128xf32, #tpu.memory_space<vmem_shared>>) target_semaphore(%run_scoped3A_65 : memref<!tpu.dma_semaphore, #tpu.memory_space<semaphore_mem>>)
      %dma_wait3A_78 = arith.constant 0 : i32
      %dma_wait3A_79 = arith.constant 0 : i32
      %dma_wait3A_80 = tpu.memref_slice %arg8[%run_scoped3A_17, %dma_wait3A_78, %dma_wait3A_79] : memref<2x128x128xf32, #tpu.memory_space<vmem>> -> memref<1x128x128xf32, #tpu.memory_space<vmem>>
      %dma_wait3A_81 = tpu.memref_squeeze %dma_wait3A_80 : memref<1x128x128xf32, #tpu.memory_space<vmem>> -> memref<128x128xf32, #tpu.memory_space<vmem>>
      %dma_wait3A_82 = arith.constant 0 : i32
      %dma_wait3A_83 = tpu.memref_slice %arg9[%add3A_16, %dma_wait3A_82] : memref<10240x128xf32, #tpu.memory_space<vmem_shared>> -> memref<128x128xf32, #tpu.memory_space<vmem_shared>>
      %dma_wait3A_84 = arith.constant 0 : i32
      %dma_wait3A_85 = tpu.memref_slice %arg9[%add3A_16, %dma_wait3A_84] : memref<10240x128xf32, #tpu.memory_space<vmem_shared>> -> memref<128x128xf32, #tpu.memory_space<vmem_shared>>
      %dma_wait3A_86 = arith.constant 0 : i32
      %dma_wait3A_87 = arith.constant 0 : i32
      %dma_wait3A_88 = tpu.memref_slice %arg8[%run_scoped3A_17, %dma_wait3A_86, %dma_wait3A_87] : memref<2x128x128xf32, #tpu.memory_space<vmem>> -> memref<1x128x128xf32, #tpu.memory_space<vmem>>
      %dma_wait3A_89 = tpu.memref_squeeze %dma_wait3A_88 : memref<1x128x128xf32, #tpu.memory_space<vmem>> -> memref<128x128xf32, #tpu.memory_space<vmem>>
      tpu.wait_dma2 semaphore(%run_scoped3A_65 : memref<!tpu.dma_semaphore, #tpu.memory_space<semaphore_mem>>) src(%dma_wait3A_89 : memref<128x128xf32, #tpu.memory_space<vmem>>) dst(%dma_wait3A_85 : memref<128x128xf32, #tpu.memory_space<vmem_shared>>)
      tpu.yield
    }) : () -> ()
    %mul3A_18 = arith.constant 640 : i32
    %mul3A_19 = arith.muli %arg1, %mul3A_18 : i32
    %add3A_20 = arith.constant 384 : i32
    %add3A_21 = arith.addi %mul3A_19, %add3A_20 : i32
    %run_scoped3A_22 = arith.constant 0 : i32
    "tpu.region"() ({
      %run_scoped3A_65 = tpu.sem_alloc : memref<!tpu.dma_semaphore, #tpu.memory_space<semaphore_mem>>
      %dma_start3A_66 = arith.constant 0 : i32
      %dma_start3A_67 = arith.constant 0 : i32
      %dma_start3A_68 = tpu.memref_slice %arg8[%run_scoped3A_22, %dma_start3A_66, %dma_start3A_67] : memref<2x128x128xf32, #tpu.memory_space<vmem>> -> memref<1x128x128xf32, #tpu.memory_space<vmem>>
      %dma_start3A_69 = tpu.memref_squeeze %dma_start3A_68 : memref<1x128x128xf32, #tpu.memory_space<vmem>> -> memref<128x128xf32, #tpu.memory_space<vmem>>
      %dma_start3A_70 = arith.constant 0 : i32
      %dma_start3A_71 = tpu.memref_slice %arg9[%add3A_21, %dma_start3A_70] : memref<10240x128xf32, #tpu.memory_space<vmem_shared>> -> memref<128x128xf32, #tpu.memory_space<vmem_shared>>
      %dma_start3A_72 = arith.constant 0 : i32
      %dma_start3A_73 = tpu.memref_slice %arg9[%add3A_21, %dma_start3A_72] : memref<10240x128xf32, #tpu.memory_space<vmem_shared>> -> memref<128x128xf32, #tpu.memory_space<vmem_shared>>
      %dma_start3A_74 = arith.constant 0 : i32
      %dma_start3A_75 = arith.constant 0 : i32
      %dma_start3A_76 = tpu.memref_slice %arg8[%run_scoped3A_22, %dma_start3A_74, %dma_start3A_75] : memref<2x128x128xf32, #tpu.memory_space<vmem>> -> memref<1x128x128xf32, #tpu.memory_space<vmem>>
      %dma_start3A_77 = tpu.memref_squeeze %dma_start3A_76 : memref<1x128x128xf32, #tpu.memory_space<vmem>> -> memref<128x128xf32, #tpu.memory_space<vmem>>
      tpu.enqueue_dma source(%dma_start3A_77 : memref<128x128xf32, #tpu.memory_space<vmem>>) target(%dma_start3A_73 : memref<128x128xf32, #tpu.memory_space<vmem_shared>>) target_semaphore(%run_scoped3A_65 : memref<!tpu.dma_semaphore, #tpu.memory_space<semaphore_mem>>)
      %dma_wait3A_78 = arith.constant 0 : i32
      %dma_wait3A_79 = arith.constant 0 : i32
      %dma_wait3A_80 = tpu.memref_slice %arg8[%run_scoped3A_22, %dma_wait3A_78, %dma_wait3A_79] : memref<2x128x128xf32, #tpu.memory_space<vmem>> -> memref<1x128x128xf32, #tpu.memory_space<vmem>>
      %dma_wait3A_81 = tpu.memref_squeeze %dma_wait3A_80 : memref<1x128x128xf32, #tpu.memory_space<vmem>> -> memref<128x128xf32, #tpu.memory_space<vmem>>
      %dma_wait3A_82 = arith.constant 0 : i32
      %dma_wait3A_83 = tpu.memref_slice %arg9[%add3A_21, %dma_wait3A_82] : memref<10240x128xf32, #tpu.memory_space<vmem_shared>> -> memref<128x128xf32, #tpu.memory_space<vmem_shared>>
      %dma_wait3A_84 = arith.constant 0 : i32
      %dma_wait3A_85 = tpu.memref_slice %arg9[%add3A_21, %dma_wait3A_84] : memref<10240x128xf32, #tpu.memory_space<vmem_shared>> -> memref<128x128xf32, #tpu.memory_space<vmem_shared>>
      %dma_wait3A_86 = arith.constant 0 : i32
      %dma_wait3A_87 = arith.constant 0 : i32
      %dma_wait3A_88 = tpu.memref_slice %arg8[%run_scoped3A_22, %dma_wait3A_86, %dma_wait3A_87] : memref<2x128x128xf32, #tpu.memory_space<vmem>> -> memref<1x128x128xf32, #tpu.memory_space<vmem>>
      %dma_wait3A_89 = tpu.memref_squeeze %dma_wait3A_88 : memref<1x128x128xf32, #tpu.memory_space<vmem>> -> memref<128x128xf32, #tpu.memory_space<vmem>>
      tpu.wait_dma2 semaphore(%run_scoped3A_65 : memref<!tpu.dma_semaphore, #tpu.memory_space<semaphore_mem>>) src(%dma_wait3A_89 : memref<128x128xf32, #tpu.memory_space<vmem>>) dst(%dma_wait3A_85 : memref<128x128xf32, #tpu.memory_space<vmem_shared>>)
      tpu.yield
    }) : () -> ()
    %mul3A_23 = arith.constant 640 : i32
    %mul3A_24 = arith.muli %arg1, %mul3A_23 : i32
    %add3A_25 = arith.constant 512 : i32
    %add3A_26 = arith.addi %mul3A_24, %add3A_25 : i32
    %run_scoped3A_27 = arith.constant 0 : i32
    "tpu.region"() ({
      %run_scoped3A_65 = tpu.sem_alloc : memref<!tpu.dma_semaphore, #tpu.memory_space<semaphore_mem>>
      %dma_start3A_66 = arith.constant 0 : i32
      %dma_start3A_67 = arith.constant 0 : i32
      %dma_start3A_68 = tpu.memref_slice %arg8[%run_scoped3A_27, %dma_start3A_66, %dma_start3A_67] : memref<2x128x128xf32, #tpu.memory_space<vmem>> -> memref<1x128x128xf32, #tpu.memory_space<vmem>>
      %dma_start3A_69 = tpu.memref_squeeze %dma_start3A_68 : memref<1x128x128xf32, #tpu.memory_space<vmem>> -> memref<128x128xf32, #tpu.memory_space<vmem>>
      %dma_start3A_70 = arith.constant 0 : i32
      %dma_start3A_71 = tpu.memref_slice %arg9[%add3A_26, %dma_start3A_70] : memref<10240x128xf32, #tpu.memory_space<vmem_shared>> -> memref<128x128xf32, #tpu.memory_space<vmem_shared>>
      %dma_start3A_72 = arith.constant 0 : i32
      %dma_start3A_73 = tpu.memref_slice %arg9[%add3A_26, %dma_start3A_72] : memref<10240x128xf32, #tpu.memory_space<vmem_shared>> -> memref<128x128xf32, #tpu.memory_space<vmem_shared>>
      %dma_start3A_74 = arith.constant 0 : i32
      %dma_start3A_75 = arith.constant 0 : i32
      %dma_start3A_76 = tpu.memref_slice %arg8[%run_scoped3A_27, %dma_start3A_74, %dma_start3A_75] : memref<2x128x128xf32, #tpu.memory_space<vmem>> -> memref<1x128x128xf32, #tpu.memory_space<vmem>>
      %dma_start3A_77 = tpu.memref_squeeze %dma_start3A_76 : memref<1x128x128xf32, #tpu.memory_space<vmem>> -> memref<128x128xf32, #tpu.memory_space<vmem>>
      tpu.enqueue_dma source(%dma_start3A_77 : memref<128x128xf32, #tpu.memory_space<vmem>>) target(%dma_start3A_73 : memref<128x128xf32, #tpu.memory_space<vmem_shared>>) target_semaphore(%run_scoped3A_65 : memref<!tpu.dma_semaphore, #tpu.memory_space<semaphore_mem>>)
      %dma_wait3A_78 = arith.constant 0 : i32
      %dma_wait3A_79 = arith.constant 0 : i32
      %dma_wait3A_80 = tpu.memref_slice %arg8[%run_scoped3A_27, %dma_wait3A_78, %dma_wait3A_79] : memref<2x128x128xf32, #tpu.memory_space<vmem>> -> memref<1x128x128xf32, #tpu.memory_space<vmem>>
      %dma_wait3A_81 = tpu.memref_squeeze %dma_wait3A_80 : memref<1x128x128xf32, #tpu.memory_space<vmem>> -> memref<128x128xf32, #tpu.memory_space<vmem>>
      %dma_wait3A_82 = arith.constant 0 : i32
      %dma_wait3A_83 = tpu.memref_slice %arg9[%add3A_26, %dma_wait3A_82] : memref<10240x128xf32, #tpu.memory_space<vmem_shared>> -> memref<128x128xf32, #tpu.memory_space<vmem_shared>>
      %dma_wait3A_84 = arith.constant 0 : i32
      %dma_wait3A_85 = tpu.memref_slice %arg9[%add3A_26, %dma_wait3A_84] : memref<10240x128xf32, #tpu.memory_space<vmem_shared>> -> memref<128x128xf32, #tpu.memory_space<vmem_shared>>
      %dma_wait3A_86 = arith.constant 0 : i32
      %dma_wait3A_87 = arith.constant 0 : i32
      %dma_wait3A_88 = tpu.memref_slice %arg8[%run_scoped3A_27, %dma_wait3A_86, %dma_wait3A_87] : memref<2x128x128xf32, #tpu.memory_space<vmem>> -> memref<1x128x128xf32, #tpu.memory_space<vmem>>
      %dma_wait3A_89 = tpu.memref_squeeze %dma_wait3A_88 : memref<1x128x128xf32, #tpu.memory_space<vmem>> -> memref<128x128xf32, #tpu.memory_space<vmem>>
      tpu.wait_dma2 semaphore(%run_scoped3A_65 : memref<!tpu.dma_semaphore, #tpu.memory_space<semaphore_mem>>) src(%dma_wait3A_89 : memref<128x128xf32, #tpu.memory_space<vmem>>) dst(%dma_wait3A_85 : memref<128x128xf32, #tpu.memory_space<vmem_shared>>)
      tpu.yield
    }) : () -> ()
    %barrier3A = arith.constant 0 : index
    tpu.barrier barrier_id(%barrier3A)
    %mul3A_28 = arith.constant 16 : i32
    %mul3A_29 = arith.muli %arg0, %mul3A_28 : i32
    %add3A_30 = arith.addi %mul3A_29, %arg1 : i32
    "tpu.region"() ({
      %run_scoped3A_65 = tpu.sem_alloc : memref<!tpu.dma_semaphore, #tpu.memory_space<semaphore_mem>>
      %dma_start3A_66 = arith.constant 0 : i32
      %dma_start3A_67 = arith.constant 0 : i32
      %dma_start3A_68 = tpu.memref_slice %arg3[%add3A_30, %dma_start3A_66, %dma_start3A_67] : memref<32x40x128xi32, #tpu.memory_space<hbm>> -> memref<1x40x128xi32, #tpu.memory_space<hbm>>
      %dma_start3A_69 = tpu.memref_squeeze %dma_start3A_68 : memref<1x40x128xi32, #tpu.memory_space<hbm>> -> memref<40x128xi32, #tpu.memory_space<hbm>>
      %dma_start3A_70 = arith.constant 0 : i32
      %dma_start3A_71 = arith.constant 0 : i32
      %dma_start3A_72 = tpu.memref_slice %arg3[%add3A_30, %dma_start3A_70, %dma_start3A_71] : memref<32x40x128xi32, #tpu.memory_space<hbm>> -> memref<1x40x128xi32, #tpu.memory_space<hbm>>
      %dma_start3A_73 = tpu.memref_squeeze %dma_start3A_72 : memref<1x40x128xi32, #tpu.memory_space<hbm>> -> memref<40x128xi32, #tpu.memory_space<hbm>>
      tpu.enqueue_dma source(%dma_start3A_73 : memref<40x128xi32, #tpu.memory_space<hbm>>) target(%arg6 : memref<40x128xi32, #tpu.memory_space<vmem>>) target_semaphore(%run_scoped3A_65 : memref<!tpu.dma_semaphore, #tpu.memory_space<semaphore_mem>>)
      %dma_wait3A_74 = arith.constant 0 : i32
      %dma_wait3A_75 = arith.constant 0 : i32
      %dma_wait3A_76 = tpu.memref_slice %arg3[%add3A_30, %dma_wait3A_74, %dma_wait3A_75] : memref<32x40x128xi32, #tpu.memory_space<hbm>> -> memref<1x40x128xi32, #tpu.memory_space<hbm>>
      %dma_wait3A_77 = tpu.memref_squeeze %dma_wait3A_76 : memref<1x40x128xi32, #tpu.memory_space<hbm>> -> memref<40x128xi32, #tpu.memory_space<hbm>>
      %dma_wait3A_78 = arith.constant 0 : i32
      %dma_wait3A_79 = arith.constant 0 : i32
      %dma_wait3A_80 = tpu.memref_slice %arg3[%add3A_30, %dma_wait3A_78, %dma_wait3A_79] : memref<32x40x128xi32, #tpu.memory_space<hbm>> -> memref<1x40x128xi32, #tpu.memory_space<hbm>>
      %dma_wait3A_81 = tpu.memref_squeeze %dma_wait3A_80 : memref<1x40x128xi32, #tpu.memory_space<hbm>> -> memref<40x128xi32, #tpu.memory_space<hbm>>
      tpu.wait_dma2 semaphore(%run_scoped3A_65 : memref<!tpu.dma_semaphore, #tpu.memory_space<semaphore_mem>>) src(%dma_wait3A_81 : memref<40x128xi32, #tpu.memory_space<hbm>>) dst(%arg6 : memref<40x128xi32, #tpu.memory_space<vmem>>)
      tpu.yield
    }) : () -> ()
    "tpu.region"() ({
      %run_scoped3A_65 = tpu.sem_alloc : memref<!tpu.dma_semaphore, #tpu.memory_space<semaphore_mem>>
      %dma_start3A_66 = arith.constant 0 : i32
      %dma_start3A_67 = arith.constant 0 : i32
      %dma_start3A_68 = tpu.memref_slice %arg4[%add3A_30, %dma_start3A_66, %dma_start3A_67] : memref<32x40x128xi32, #tpu.memory_space<hbm>> -> memref<1x40x128xi32, #tpu.memory_space<hbm>>
      %dma_start3A_69 = tpu.memref_squeeze %dma_start3A_68 : memref<1x40x128xi32, #tpu.memory_space<hbm>> -> memref<40x128xi32, #tpu.memory_space<hbm>>
      %dma_start3A_70 = arith.constant 0 : i32
      %dma_start3A_71 = arith.constant 0 : i32
      %dma_start3A_72 = tpu.memref_slice %arg4[%add3A_30, %dma_start3A_70, %dma_start3A_71] : memref<32x40x128xi32, #tpu.memory_space<hbm>> -> memref<1x40x128xi32, #tpu.memory_space<hbm>>
      %dma_start3A_73 = tpu.memref_squeeze %dma_start3A_72 : memref<1x40x128xi32, #tpu.memory_space<hbm>> -> memref<40x128xi32, #tpu.memory_space<hbm>>
      tpu.enqueue_dma source(%dma_start3A_73 : memref<40x128xi32, #tpu.memory_space<hbm>>) target(%arg7 : memref<40x128xi32, #tpu.memory_space<vmem>>) target_semaphore(%run_scoped3A_65 : memref<!tpu.dma_semaphore, #tpu.memory_space<semaphore_mem>>)
      %dma_wait3A_74 = arith.constant 0 : i32
      %dma_wait3A_75 = arith.constant 0 : i32
      %dma_wait3A_76 = tpu.memref_slice %arg4[%add3A_30, %dma_wait3A_74, %dma_wait3A_75] : memref<32x40x128xi32, #tpu.memory_space<hbm>> -> memref<1x40x128xi32, #tpu.memory_space<hbm>>
      %dma_wait3A_77 = tpu.memref_squeeze %dma_wait3A_76 : memref<1x40x128xi32, #tpu.memory_space<hbm>> -> memref<40x128xi32, #tpu.memory_space<hbm>>
      %dma_wait3A_78 = arith.constant 0 : i32
      %dma_wait3A_79 = arith.constant 0 : i32
      %dma_wait3A_80 = tpu.memref_slice %arg4[%add3A_30, %dma_wait3A_78, %dma_wait3A_79] : memref<32x40x128xi32, #tpu.memory_space<hbm>> -> memref<1x40x128xi32, #tpu.memory_space<hbm>>
      %dma_wait3A_81 = tpu.memref_squeeze %dma_wait3A_80 : memref<1x40x128xi32, #tpu.memory_space<hbm>> -> memref<40x128xi32, #tpu.memory_space<hbm>>
      tpu.wait_dma2 semaphore(%run_scoped3A_65 : memref<!tpu.dma_semaphore, #tpu.memory_space<semaphore_mem>>) src(%dma_wait3A_81 : memref<40x128xi32, #tpu.memory_space<hbm>>) dst(%arg7 : memref<40x128xi32, #tpu.memory_space<vmem>>)
      tpu.yield
    }) : () -> ()
    %dma_start3A = arith.constant 0 : i32
    %dma_start3A_31 = arith.constant 0 : i32
    %dma_start3A_32 = arith.constant 0 : i32
    %dma_start3A_33 = arith.constant 0 : i32
    %dma_start3A_34 = tpu.memref_slice %arg8[%dma_start3A_31, %dma_start3A_32, %dma_start3A_33] : memref<2x128x128xf32, #tpu.memory_space<vmem>> -> memref<1x128x128xf32, #tpu.memory_space<vmem>>
    %dma_start3A_35 = tpu.memref_squeeze %dma_start3A_34 : memref<1x128x128xf32, #tpu.memory_space<vmem>> -> memref<128x128xf32, #tpu.memory_space<vmem>>
    %dma_start3A_36 = arith.constant 0 : i32
    %dma_start3A_37 = tpu.memref_slice %arg6[%dma_start3A, %dma_start3A_36] : memref<40x128xi32, #tpu.memory_space<vmem>> -> memref<1x128xi32, #tpu.memory_space<vmem>>
    %dma_start3A_38 = tpu.memref_squeeze %dma_start3A_37 : memref<1x128xi32, #tpu.memory_space<vmem>> -> memref<128xi32, #tpu.memory_space<vmem>>
    %dma_start3A_39 = arith.constant 0 : i32
    %dma_start3A_40 = arith.constant 0 : i32
    %dma_start3A_41 = tpu.memref_slice %arg2[%dma_start3A_39, %dma_start3A_40] : memref<10000x128xf32, #tpu.memory_space<hbm>> -> memref<10000x128xf32, #tpu.memory_space<hbm>>
    tpu.enqueue_indirect_dma source(%dma_start3A_41 : memref<10000x128xf32, #tpu.memory_space<hbm>>) target(%dma_start3A_35 : memref<128x128xf32, #tpu.memory_space<vmem>>) offsets(%dma_start3A_38 : memref<128xi32, #tpu.memory_space<vmem>>) semaphore(%arg10 : memref<!tpu.dma_semaphore, #tpu.memory_space<semaphore_mem>>)
    %scan3A_42 = arith.constant 0 : i32
    %scan3A_43 = arith.constant 0 : i32
    %scan3A_44 = arith.constant 20 : i32
    %scan3A_45 = arith.addi %scan3A_43, %scan3A_44 : i32
    %scan3A_46 = arith.constant 1 : i32
    %scan3A_47 = scf.for %scan3A_65 = %scan3A_43 to %scan3A_45 step %scan3A_46 iter_args(%scan3A_66 = %scan3A_42) -> (i32)  : i32 {
      %mul3A_67 = arith.constant 2 : i32
      %mul3A_68 = arith.muli %scan3A_65, %mul3A_67 : i32
      %add3A_69 = arith.constant 0 : i32
      %add3A_70 = arith.addi %mul3A_68, %add3A_69 : i32
      %dma_wait3A_71 = arith.constant 0 : i32
      %dma_wait3A_72 = arith.constant 0 : i32
      %dma_wait3A_73 = arith.constant 0 : i32
      %dma_wait3A_74 = tpu.memref_slice %arg8[%dma_wait3A_71, %dma_wait3A_72, %dma_wait3A_73] : memref<2x128x128xf32, #tpu.memory_space<vmem>> -> memref<1x128x128xf32, #tpu.memory_space<vmem>>
      %dma_wait3A_75 = tpu.memref_squeeze %dma_wait3A_74 : memref<1x128x128xf32, #tpu.memory_space<vmem>> -> memref<128x128xf32, #tpu.memory_space<vmem>>
      %dma_wait3A_76 = arith.constant 0 : i32
      %dma_wait3A_77 = tpu.memref_slice %arg6[%add3A_70, %dma_wait3A_76] : memref<40x128xi32, #tpu.memory_space<vmem>> -> memref<1x128xi32, #tpu.memory_space<vmem>>
      %dma_wait3A_78 = tpu.memref_squeeze %dma_wait3A_77 : memref<1x128xi32, #tpu.memory_space<vmem>> -> memref<128xi32, #tpu.memory_space<vmem>>
      %dma_wait3A_79 = arith.constant 0 : i32
      %dma_wait3A_80 = arith.constant 0 : i32
      %dma_wait3A_81 = tpu.memref_slice %arg2[%dma_wait3A_79, %dma_wait3A_80] : memref<10000x128xf32, #tpu.memory_space<hbm>> -> memref<10000x128xf32, #tpu.memory_space<hbm>>
      tpu.wait_indirect_dma semaphore(%arg10 : memref<!tpu.dma_semaphore, #tpu.memory_space<semaphore_mem>>) src(%dma_wait3A_81 : memref<10000x128xf32, #tpu.memory_space<hbm>>) dst(%dma_wait3A_75 : memref<128x128xf32, #tpu.memory_space<vmem>>)
      %dma_start3A_82 = arith.constant 0 : i32
      %dma_start3A_83 = arith.constant 0 : i32
      %dma_start3A_84 = arith.constant 0 : i32
      %dma_start3A_85 = tpu.memref_slice %arg8[%dma_start3A_82, %dma_start3A_83, %dma_start3A_84] : memref<2x128x128xf32, #tpu.memory_space<vmem>> -> memref<1x128x128xf32, #tpu.memory_space<vmem>>
      %dma_start3A_86 = tpu.memref_squeeze %dma_start3A_85 : memref<1x128x128xf32, #tpu.memory_space<vmem>> -> memref<128x128xf32, #tpu.memory_space<vmem>>
      %dma_start3A_87 = arith.constant 0 : i32
      %dma_start3A_88 = tpu.memref_slice %arg7[%add3A_70, %dma_start3A_87] : memref<40x128xi32, #tpu.memory_space<vmem>> -> memref<1x128xi32, #tpu.memory_space<vmem>>
      %dma_start3A_89 = tpu.memref_squeeze %dma_start3A_88 : memref<1x128xi32, #tpu.memory_space<vmem>> -> memref<128xi32, #tpu.memory_space<vmem>>
      %dma_start3A_90 = arith.constant 0 : i32
      %dma_start3A_91 = arith.constant 0 : i32
      %dma_start3A_92 = tpu.memref_slice %arg9[%dma_start3A_90, %dma_start3A_91] : memref<10240x128xf32, #tpu.memory_space<vmem_shared>> -> memref<10240x128xf32, #tpu.memory_space<vmem_shared>>
      tpu.enqueue_indirect_dma source(%dma_start3A_86 : memref<128x128xf32, #tpu.memory_space<vmem>>) target(%dma_start3A_92 : memref<10240x128xf32, #tpu.memory_space<vmem_shared>>) offsets(%dma_start3A_89 : memref<128xi32, #tpu.memory_space<vmem>>) semaphore(%arg12 : memref<!tpu.dma_semaphore, #tpu.memory_space<semaphore_mem>>) {add = true}
      %gt3A = arith.constant 0 : i32
      %gt3A_93 = arith.cmpi sgt, %scan3A_65, %gt3A : i32
      %convert_element_type3A = arith.extui %gt3A_93 : i1 to i32
      %cond3A = arith.constant 0 : i32
      %cond3A_94 = arith.cmpi ne, %convert_element_type3A, %cond3A : i32
      scf.if %cond3A_94 {
        %sub3A_151 = arith.constant 1 : i32
        %sub3A_152 = arith.subi %add3A_70, %sub3A_151 : i32
        %dma_wait3A_153 = arith.constant 1 : i32
        %dma_wait3A_154 = arith.constant 0 : i32
        %dma_wait3A_155 = arith.constant 0 : i32
        %dma_wait3A_156 = tpu.memref_slice %arg8[%dma_wait3A_153, %dma_wait3A_154, %dma_wait3A_155] : memref<2x128x128xf32, #tpu.memory_space<vmem>> -> memref<1x128x128xf32, #tpu.memory_space<vmem>>
        %dma_wait3A_157 = tpu.memref_squeeze %dma_wait3A_156 : memref<1x128x128xf32, #tpu.memory_space<vmem>> -> memref<128x128xf32, #tpu.memory_space<vmem>>
        %dma_wait3A_158 = arith.constant 0 : i32
        %dma_wait3A_159 = tpu.memref_slice %arg7[%sub3A_152, %dma_wait3A_158] : memref<40x128xi32, #tpu.memory_space<vmem>> -> memref<1x128xi32, #tpu.memory_space<vmem>>
        %dma_wait3A_160 = tpu.memref_squeeze %dma_wait3A_159 : memref<1x128xi32, #tpu.memory_space<vmem>> -> memref<128xi32, #tpu.memory_space<vmem>>
        %dma_wait3A_161 = arith.constant 0 : i32
        %dma_wait3A_162 = arith.constant 0 : i32
        %dma_wait3A_163 = tpu.memref_slice %arg9[%dma_wait3A_161, %dma_wait3A_162] : memref<10240x128xf32, #tpu.memory_space<vmem_shared>> -> memref<10240x128xf32, #tpu.memory_space<vmem_shared>>
        tpu.wait_indirect_dma semaphore(%arg13 : memref<!tpu.dma_semaphore, #tpu.memory_space<semaphore_mem>>) src(%dma_wait3A_157 : memref<128x128xf32, #tpu.memory_space<vmem>>) dst(%dma_wait3A_163 : memref<10240x128xf32, #tpu.memory_space<vmem_shared>>)
      } else {
      }
      %add3A_95 = arith.constant 2 : i32
      %add3A_96 = arith.addi %add3A_70, %add3A_95 : i32
      %sub3A = arith.constant 1 : i32
      %sub3A_97 = arith.subi %add3A_96, %sub3A : i32
      %lt3A = arith.constant 40 : i32
      %lt3A_98 = arith.cmpi slt, %sub3A_97, %lt3A : i32
      %convert_element_type3A_99 = arith.extui %lt3A_98 : i1 to i32
      %cond3A_100 = arith.constant 0 : i32
      %cond3A_101 = arith.cmpi ne, %convert_element_type3A_99, %cond3A_100 : i32
      scf.if %cond3A_101 {
        %add3A_151 = arith.constant 2 : i32
        %add3A_152 = arith.addi %add3A_70, %add3A_151 : i32
        %sub3A_153 = arith.constant 1 : i32
        %sub3A_154 = arith.subi %add3A_152, %sub3A_153 : i32
        %dma_start3A_155 = arith.constant 1 : i32
        %dma_start3A_156 = arith.constant 0 : i32
        %dma_start3A_157 = arith.constant 0 : i32
        %dma_start3A_158 = tpu.memref_slice %arg8[%dma_start3A_155, %dma_start3A_156, %dma_start3A_157] : memref<2x128x128xf32, #tpu.memory_space<vmem>> -> memref<1x128x128xf32, #tpu.memory_space<vmem>>
        %dma_start3A_159 = tpu.memref_squeeze %dma_start3A_158 : memref<1x128x128xf32, #tpu.memory_space<vmem>> -> memref<128x128xf32, #tpu.memory_space<vmem>>
        %dma_start3A_160 = arith.constant 0 : i32
        %dma_start3A_161 = tpu.memref_slice %arg6[%sub3A_154, %dma_start3A_160] : memref<40x128xi32, #tpu.memory_space<vmem>> -> memref<1x128xi32, #tpu.memory_space<vmem>>
        %dma_start3A_162 = tpu.memref_squeeze %dma_start3A_161 : memref<1x128xi32, #tpu.memory_space<vmem>> -> memref<128xi32, #tpu.memory_space<vmem>>
        %dma_start3A_163 = arith.constant 0 : i32
        %dma_start3A_164 = arith.constant 0 : i32
        %dma_start3A_165 = tpu.memref_slice %arg2[%dma_start3A_163, %dma_start3A_164] : memref<10000x128xf32, #tpu.memory_space<hbm>> -> memref<10000x128xf32, #tpu.memory_space<hbm>>
        tpu.enqueue_indirect_dma source(%dma_start3A_165 : memref<10000x128xf32, #tpu.memory_space<hbm>>) target(%dma_start3A_159 : memref<128x128xf32, #tpu.memory_space<vmem>>) offsets(%dma_start3A_162 : memref<128xi32, #tpu.memory_space<vmem>>) semaphore(%arg11 : memref<!tpu.dma_semaphore, #tpu.memory_space<semaphore_mem>>)
      } else {
      }
      %mul3A_102 = arith.constant 2 : i32
      %mul3A_103 = arith.muli %scan3A_65, %mul3A_102 : i32
      %add3A_104 = arith.constant 1 : i32
      %add3A_105 = arith.addi %mul3A_103, %add3A_104 : i32
      %dma_wait3A_106 = arith.constant 1 : i32
      %dma_wait3A_107 = arith.constant 0 : i32
      %dma_wait3A_108 = arith.constant 0 : i32
      %dma_wait3A_109 = tpu.memref_slice %arg8[%dma_wait3A_106, %dma_wait3A_107, %dma_wait3A_108] : memref<2x128x128xf32, #tpu.memory_space<vmem>> -> memref<1x128x128xf32, #tpu.memory_space<vmem>>
      %dma_wait3A_110 = tpu.memref_squeeze %dma_wait3A_109 : memref<1x128x128xf32, #tpu.memory_space<vmem>> -> memref<128x128xf32, #tpu.memory_space<vmem>>
      %dma_wait3A_111 = arith.constant 0 : i32
      %dma_wait3A_112 = tpu.memref_slice %arg6[%add3A_105, %dma_wait3A_111] : memref<40x128xi32, #tpu.memory_space<vmem>> -> memref<1x128xi32, #tpu.memory_space<vmem>>
      %dma_wait3A_113 = tpu.memref_squeeze %dma_wait3A_112 : memref<1x128xi32, #tpu.memory_space<vmem>> -> memref<128xi32, #tpu.memory_space<vmem>>
      %dma_wait3A_114 = arith.constant 0 : i32
      %dma_wait3A_115 = arith.constant 0 : i32
      %dma_wait3A_116 = tpu.memref_slice %arg2[%dma_wait3A_114, %dma_wait3A_115] : memref<10000x128xf32, #tpu.memory_space<hbm>> -> memref<10000x128xf32, #tpu.memory_space<hbm>>
      tpu.wait_indirect_dma semaphore(%arg11 : memref<!tpu.dma_semaphore, #tpu.memory_space<semaphore_mem>>) src(%dma_wait3A_116 : memref<10000x128xf32, #tpu.memory_space<hbm>>) dst(%dma_wait3A_110 : memref<128x128xf32, #tpu.memory_space<vmem>>)
      %dma_start3A_117 = arith.constant 1 : i32
      %dma_start3A_118 = arith.constant 0 : i32
      %dma_start3A_119 = arith.constant 0 : i32
      %dma_start3A_120 = tpu.memref_slice %arg8[%dma_start3A_117, %dma_start3A_118, %dma_start3A_119] : memref<2x128x128xf32, #tpu.memory_space<vmem>> -> memref<1x128x128xf32, #tpu.memory_space<vmem>>
      %dma_start3A_121 = tpu.memref_squeeze %dma_start3A_120 : memref<1x128x128xf32, #tpu.memory_space<vmem>> -> memref<128x128xf32, #tpu.memory_space<vmem>>
      %dma_start3A_122 = arith.constant 0 : i32
      %dma_start3A_123 = tpu.memref_slice %arg7[%add3A_105, %dma_start3A_122] : memref<40x128xi32, #tpu.memory_space<vmem>> -> memref<1x128xi32, #tpu.memory_space<vmem>>
      %dma_start3A_124 = tpu.memref_squeeze %dma_start3A_123 : memref<1x128xi32, #tpu.memory_space<vmem>> -> memref<128xi32, #tpu.memory_space<vmem>>
      %dma_start3A_125 = arith.constant 0 : i32
      %dma_start3A_126 = arith.constant 0 : i32
      %dma_start3A_127 = tpu.memref_slice %arg9[%dma_start3A_125, %dma_start3A_126] : memref<10240x128xf32, #tpu.memory_space<vmem_shared>> -> memref<10240x128xf32, #tpu.memory_space<vmem_shared>>
      tpu.enqueue_indirect_dma source(%dma_start3A_121 : memref<128x128xf32, #tpu.memory_space<vmem>>) target(%dma_start3A_127 : memref<10240x128xf32, #tpu.memory_space<vmem_shared>>) offsets(%dma_start3A_124 : memref<128xi32, #tpu.memory_space<vmem>>) semaphore(%arg13 : memref<!tpu.dma_semaphore, #tpu.memory_space<semaphore_mem>>) {add = true}
      %sub3A_128 = arith.constant 1 : i32
      %sub3A_129 = arith.subi %add3A_105, %sub3A_128 : i32
      %dma_wait3A_130 = arith.constant 0 : i32
      %dma_wait3A_131 = arith.constant 0 : i32
      %dma_wait3A_132 = arith.constant 0 : i32
      %dma_wait3A_133 = tpu.memref_slice %arg8[%dma_wait3A_130, %dma_wait3A_131, %dma_wait3A_132] : memref<2x128x128xf32, #tpu.memory_space<vmem>> -> memref<1x128x128xf32, #tpu.memory_space<vmem>>
      %dma_wait3A_134 = tpu.memref_squeeze %dma_wait3A_133 : memref<1x128x128xf32, #tpu.memory_space<vmem>> -> memref<128x128xf32, #tpu.memory_space<vmem>>
      %dma_wait3A_135 = arith.constant 0 : i32
      %dma_wait3A_136 = tpu.memref_slice %arg7[%sub3A_129, %dma_wait3A_135] : memref<40x128xi32, #tpu.memory_space<vmem>> -> memref<1x128xi32, #tpu.memory_space<vmem>>
      %dma_wait3A_137 = tpu.memref_squeeze %dma_wait3A_136 : memref<1x128xi32, #tpu.memory_space<vmem>> -> memref<128xi32, #tpu.memory_space<vmem>>
      %dma_wait3A_138 = arith.constant 0 : i32
      %dma_wait3A_139 = arith.constant 0 : i32
      %dma_wait3A_140 = tpu.memref_slice %arg9[%dma_wait3A_138, %dma_wait3A_139] : memref<10240x128xf32, #tpu.memory_space<vmem_shared>> -> memref<10240x128xf32, #tpu.memory_space<vmem_shared>>
      tpu.wait_indirect_dma semaphore(%arg12 : memref<!tpu.dma_semaphore, #tpu.memory_space<semaphore_mem>>) src(%dma_wait3A_134 : memref<128x128xf32, #tpu.memory_space<vmem>>) dst(%dma_wait3A_140 : memref<10240x128xf32, #tpu.memory_space<vmem_shared>>)
      %add3A_141 = arith.constant 2 : i32
      %add3A_142 = arith.addi %add3A_105, %add3A_141 : i32
      %sub3A_143 = arith.constant 1 : i32
      %sub3A_144 = arith.subi %add3A_142, %sub3A_143 : i32
      %lt3A_145 = arith.constant 40 : i32
      %lt3A_146 = arith.cmpi slt, %sub3A_144, %lt3A_145 : i32
      %convert_element_type3A_147 = arith.extui %lt3A_146 : i1 to i32
      %cond3A_148 = arith.constant 0 : i32
      %cond3A_149 = arith.cmpi ne, %convert_element_type3A_147, %cond3A_148 : i32
      scf.if %cond3A_149 {
        %add3A_151 = arith.constant 2 : i32
        %add3A_152 = arith.addi %add3A_105, %add3A_151 : i32
        %sub3A_153 = arith.constant 1 : i32
        %sub3A_154 = arith.subi %add3A_152, %sub3A_153 : i32
        %dma_start3A_155 = arith.constant 0 : i32
        %dma_start3A_156 = arith.constant 0 : i32
        %dma_start3A_157 = arith.constant 0 : i32
        %dma_start3A_158 = tpu.memref_slice %arg8[%dma_start3A_155, %dma_start3A_156, %dma_start3A_157] : memref<2x128x128xf32, #tpu.memory_space<vmem>> -> memref<1x128x128xf32, #tpu.memory_space<vmem>>
        %dma_start3A_159 = tpu.memref_squeeze %dma_start3A_158 : memref<1x128x128xf32, #tpu.memory_space<vmem>> -> memref<128x128xf32, #tpu.memory_space<vmem>>
        %dma_start3A_160 = arith.constant 0 : i32
        %dma_start3A_161 = tpu.memref_slice %arg6[%sub3A_154, %dma_start3A_160] : memref<40x128xi32, #tpu.memory_space<vmem>> -> memref<1x128xi32, #tpu.memory_space<vmem>>
        %dma_start3A_162 = tpu.memref_squeeze %dma_start3A_161 : memref<1x128xi32, #tpu.memory_space<vmem>> -> memref<128xi32, #tpu.memory_space<vmem>>
        %dma_start3A_163 = arith.constant 0 : i32
        %dma_start3A_164 = arith.constant 0 : i32
        %dma_start3A_165 = tpu.memref_slice %arg2[%dma_start3A_163, %dma_start3A_164] : memref<10000x128xf32, #tpu.memory_space<hbm>> -> memref<10000x128xf32, #tpu.memory_space<hbm>>
        tpu.enqueue_indirect_dma source(%dma_start3A_165 : memref<10000x128xf32, #tpu.memory_space<hbm>>) target(%dma_start3A_159 : memref<128x128xf32, #tpu.memory_space<vmem>>) offsets(%dma_start3A_162 : memref<128xi32, #tpu.memory_space<vmem>>) semaphore(%arg10 : memref<!tpu.dma_semaphore, #tpu.memory_space<semaphore_mem>>)
      } else {
      }
      %scan3A_150 = arith.constant 0 : i32
      scf.yield %scan3A_150 : i32
    }
    %scan3A_48 = arith.constant 20 : i32
    %dma_wait3A = arith.constant 1 : i32
    %dma_wait3A_49 = arith.constant 39 : i32
    %dma_wait3A_50 = arith.constant 0 : i32
    %dma_wait3A_51 = arith.constant 0 : i32
    %dma_wait3A_52 = tpu.memref_slice %arg8[%dma_wait3A, %dma_wait3A_50, %dma_wait3A_51] : memref<2x128x128xf32, #tpu.memory_space<vmem>> -> memref<1x128x128xf32, #tpu.memory_space<vmem>>
    %dma_wait3A_53 = tpu.memref_squeeze %dma_wait3A_52 : memref<1x128x128xf32, #tpu.memory_space<vmem>> -> memref<128x128xf32, #tpu.memory_space<vmem>>
    %dma_wait3A_54 = arith.constant 0 : i32
    %dma_wait3A_55 = tpu.memref_slice %arg7[%dma_wait3A_49, %dma_wait3A_54] : memref<40x128xi32, #tpu.memory_space<vmem>> -> memref<1x128xi32, #tpu.memory_space<vmem>>
    %dma_wait3A_56 = tpu.memref_squeeze %dma_wait3A_55 : memref<1x128xi32, #tpu.memory_space<vmem>> -> memref<128xi32, #tpu.memory_space<vmem>>
    %dma_wait3A_57 = arith.constant 0 : i32
    %dma_wait3A_58 = arith.constant 0 : i32
    %dma_wait3A_59 = tpu.memref_slice %arg9[%dma_wait3A_57, %dma_wait3A_58] : memref<10240x128xf32, #tpu.memory_space<vmem_shared>> -> memref<10240x128xf32, #tpu.memory_space<vmem_shared>>
    tpu.wait_indirect_dma semaphore(%arg13 : memref<!tpu.dma_semaphore, #tpu.memory_space<semaphore_mem>>) src(%dma_wait3A_53 : memref<128x128xf32, #tpu.memory_space<vmem>>) dst(%dma_wait3A_59 : memref<10240x128xf32, #tpu.memory_space<vmem_shared>>)
    %barrier3A_60 = arith.constant 0 : index
    tpu.barrier barrier_id(%barrier3A_60)
    %mul3A_61 = arith.constant 640 : i32
    %mul3A_62 = arith.muli %arg1, %mul3A_61 : i32
    %mul3A_63 = arith.constant 640 : i32
    %mul3A_64 = arith.muli %arg1, %mul3A_63 : i32
    "tpu.region"() ({
      %run_scoped3A_65 = tpu.sem_alloc : memref<!tpu.dma_semaphore, #tpu.memory_space<semaphore_mem>>
      %dma_start3A_66 = arith.constant 0 : i32
      %dma_start3A_67 = tpu.memref_slice %arg5[%arg0, %mul3A_64, %dma_start3A_66] : memref<2x10240x128xf32, #tpu.memory_space<hbm>> -> memref<1x640x128xf32, #tpu.memory_space<hbm>>
      %dma_start3A_68 = tpu.memref_squeeze %dma_start3A_67 : memref<1x640x128xf32, #tpu.memory_space<hbm>> -> memref<640x128xf32, #tpu.memory_space<hbm>>
      %dma_start3A_69 = arith.constant 0 : i32
      %dma_start3A_70 = tpu.memref_slice %arg9[%mul3A_62, %dma_start3A_69] : memref<10240x128xf32, #tpu.memory_space<vmem_shared>> -> memref<640x128xf32, #tpu.memory_space<vmem_shared>>
      tpu.enqueue_dma source(%dma_start3A_70 : memref<640x128xf32, #tpu.memory_space<vmem_shared>>) target(%dma_start3A_68 : memref<640x128xf32, #tpu.memory_space<hbm>>) target_semaphore(%run_scoped3A_65 : memref<!tpu.dma_semaphore, #tpu.memory_space<semaphore_mem>>)
      %dma_wait3A_71 = arith.constant 0 : i32
      %dma_wait3A_72 = tpu.memref_slice %arg5[%arg0, %mul3A_64, %dma_wait3A_71] : memref<2x10240x128xf32, #tpu.memory_space<hbm>> -> memref<1x640x128xf32, #tpu.memory_space<hbm>>
      %dma_wait3A_73 = tpu.memref_squeeze %dma_wait3A_72 : memref<1x640x128xf32, #tpu.memory_space<hbm>> -> memref<640x128xf32, #tpu.memory_space<hbm>>
      %dma_wait3A_74 = arith.constant 0 : i32
      %dma_wait3A_75 = tpu.memref_slice %arg9[%mul3A_62, %dma_wait3A_74] : memref<10240x128xf32, #tpu.memory_space<vmem_shared>> -> memref<640x128xf32, #tpu.memory_space<vmem_shared>>
      tpu.wait_dma2 semaphore(%run_scoped3A_65 : memref<!tpu.dma_semaphore, #tpu.memory_space<semaphore_mem>>) src(%dma_wait3A_75 : memref<640x128xf32, #tpu.memory_space<vmem_shared>>) dst(%dma_wait3A_73 : memref<640x128xf32, #tpu.memory_space<hbm>>)
      tpu.yield
    }) : () -> ()
    return
  }
}

#map = affine_map<(d0, d1) -> (0, 0)>
#map1 = affine_map<(d0, d1) -> (0, 0, 0)>
module attributes {stable_mosaic.version = 14 : i64} {
  func.func @seg(%arg0: i32, %arg1: i32, %arg2: memref<10000x64xf32, #tpu.memory_space<hbm>>, %arg3: memref<32x40x128xi32, #tpu.memory_space<hbm>>, %arg4: memref<32x40x128xi32, #tpu.memory_space<hbm>>, %arg5: memref<2x10240x64xf32, #tpu.memory_space<hbm>>, %arg6: memref<40x128xi32, #tpu.memory_space<vmem>>, %arg7: memref<40x128xi32, #tpu.memory_space<vmem>>, %arg8: memref<2x128x64xf32, #tpu.memory_space<vmem>>, %arg9: memref<10240x64xf32, #tpu.memory_space<vmem_shared>>, %arg10: memref<!tpu.dma_semaphore, #tpu.memory_space<semaphore_mem>>, %arg11: memref<!tpu.dma_semaphore, #tpu.memory_space<semaphore_mem>>, %arg12: memref<!tpu.dma_semaphore, #tpu.memory_space<semaphore_mem>>, %arg13: memref<!tpu.dma_semaphore, #tpu.memory_space<semaphore_mem>>) attributes {dimension_semantics = [#tpu.dimension_semantics<core_parallel>, #tpu.dimension_semantics<subcore_parallel>], iteration_bounds = array<i64: 2, 16>, scalar_prefetch = 0 : i64, scratch_operands = 8 : i64, tpu.core_type = #tpu.core_type<sc_vector_subcore>, window_params = [{transform_indices = #map}, {transform_indices = #map1}, {transform_indices = #map1}, {transform_indices = #map1}]} {
    %scan3A = arith.constant 0 : i32
    %scan3A_0 = arith.constant 0 : i32
    %scan3A_1 = arith.constant 512 : i32
    %scan3A_2 = arith.addi %scan3A_0, %scan3A_1 : i32
    %scan3A_3 = arith.constant 1 : i32
    %scan3A_4 = scf.for %scan3A_65 = %scan3A_0 to %scan3A_2 step %scan3A_3 iter_args(%scan3A_66 = %scan3A) -> (i32)  : i32 {
      %jit3A = arith.constant 4 : i32
      %div3A = arith.divsi %scan3A_65, %jit3A : i32
      %sign3A = arith.constant 0 : i32
      %sign3A_67 = arith.cmpi sgt, %scan3A_65, %sign3A : i32
      %sign3A_68 = arith.extui %sign3A_67 : i1 to i32
      %sign3A_69 = arith.constant 0 : i32
      %sign3A_70 = arith.cmpi slt, %scan3A_65, %sign3A_69 : i32
      %sign3A_71 = arith.extui %sign3A_70 : i1 to i32
      %sign3A_72 = arith.subi %sign3A_68, %sign3A_71 : i32
      %sign3A_73 = arith.constant 0 : i32
      %sign3A_74 = arith.cmpi sgt, %jit3A, %sign3A_73 : i32
      %sign3A_75 = arith.extui %sign3A_74 : i1 to i32
      %sign3A_76 = arith.constant 0 : i32
      %sign3A_77 = arith.cmpi slt, %jit3A, %sign3A_76 : i32
      %sign3A_78 = arith.extui %sign3A_77 : i1 to i32
      %sign3A_79 = arith.subi %sign3A_75, %sign3A_78 : i32
      %ne3A = arith.cmpi ne, %sign3A_72, %sign3A_79 : i32
      %rem3A = arith.remsi %scan3A_65, %jit3A : i32
      %ne3A_80 = arith.constant 0 : i32
      %ne3A_81 = arith.cmpi ne, %rem3A, %ne3A_80 : i32
      %and3A = arith.andi %ne3A, %ne3A_81 : i1
      %sub3A = arith.constant 1 : i32
      %sub3A_82 = arith.subi %div3A, %sub3A : i32
      %select_n3A = arith.select %and3A, %sub3A_82, %div3A : i32
      %mul3A_83 = arith.constant 4 : i32
      %mul3A_84 = arith.muli %select_n3A, %mul3A_83 : i32
      %sub3A_85 = arith.subi %scan3A_65, %mul3A_84 : i32
      %broadcast_in_dim3A = arith.constant 0.000000e+00 : f32
      %broadcast_in_dim3A_86 = vector.broadcast %broadcast_in_dim3A : f32 to vector<16xf32>
      %mul3A_87 = arith.constant 16 : i32
      %mul3A_88 = arith.muli %sub3A_85, %mul3A_87 : i32
      %swap3A = arith.constant 0 : i32
      %swap3A_89 = arith.index_cast %swap3A : i32 to index
      %swap3A_90 = arith.index_cast %select_n3A : i32 to index
      %swap3A_91 = arith.index_cast %mul3A_88 : i32 to index
      %swap3A_92 = tpu.vector_load %arg8[%swap3A_89, %swap3A_90, %swap3A_91] {strides = array<i32>} : memref<2x128x64xf32, #tpu.memory_space<vmem>>, vector<1x1x16xf32>,
      %swap3A_93 = vector.shape_cast %swap3A_92 : vector<1x1x16xf32> to vector<16xf32>
      %swap3A_94 = vector.shape_cast %broadcast_in_dim3A_86 : vector<16xf32> to vector<1x1x16xf32>
      tpu.vector_store %arg8[%swap3A_89, %swap3A_90, %swap3A_91], %swap3A_94 {strides = array<i32>} : memref<2x128x64xf32, #tpu.memory_space<vmem>>, vector<1x1x16xf32>,
      %scan3A_95 = arith.constant 0 : i32
      scf.yield %scan3A_95 : i32
    }
    %scan3A_5 = arith.constant 512 : i32
    %mul3A = arith.constant 640 : i32
    %mul3A_6 = arith.muli %arg1, %mul3A : i32
    %add3A = arith.constant 0 : i32
    %add3A_7 = arith.addi %mul3A_6, %add3A : i32
    %run_scoped3A = arith.constant 0 : i32
    "tpu.region"() ({
      %run_scoped3A_65 = tpu.sem_alloc : memref<!tpu.dma_semaphore, #tpu.memory_space<semaphore_mem>>
      %dma_start3A_66 = arith.constant 0 : i32
      %dma_start3A_67 = arith.constant 0 : i32
      %dma_start3A_68 = tpu.memref_slice %arg8[%run_scoped3A, %dma_start3A_66, %dma_start3A_67] : memref<2x128x64xf32, #tpu.memory_space<vmem>> -> memref<1x128x64xf32, #tpu.memory_space<vmem>>
      %dma_start3A_69 = tpu.memref_squeeze %dma_start3A_68 : memref<1x128x64xf32, #tpu.memory_space<vmem>> -> memref<128x64xf32, #tpu.memory_space<vmem>>
      %dma_start3A_70 = arith.constant 0 : i32
      %dma_start3A_71 = tpu.memref_slice %arg9[%add3A_7, %dma_start3A_70] : memref<10240x64xf32, #tpu.memory_space<vmem_shared>> -> memref<128x64xf32, #tpu.memory_space<vmem_shared>>
      %dma_start3A_72 = arith.constant 0 : i32
      %dma_start3A_73 = tpu.memref_slice %arg9[%add3A_7, %dma_start3A_72] : memref<10240x64xf32, #tpu.memory_space<vmem_shared>> -> memref<128x64xf32, #tpu.memory_space<vmem_shared>>
      %dma_start3A_74 = arith.constant 0 : i32
      %dma_start3A_75 = arith.constant 0 : i32
      %dma_start3A_76 = tpu.memref_slice %arg8[%run_scoped3A, %dma_start3A_74, %dma_start3A_75] : memref<2x128x64xf32, #tpu.memory_space<vmem>> -> memref<1x128x64xf32, #tpu.memory_space<vmem>>
      %dma_start3A_77 = tpu.memref_squeeze %dma_start3A_76 : memref<1x128x64xf32, #tpu.memory_space<vmem>> -> memref<128x64xf32, #tpu.memory_space<vmem>>
      tpu.enqueue_dma source(%dma_start3A_77 : memref<128x64xf32, #tpu.memory_space<vmem>>) target(%dma_start3A_73 : memref<128x64xf32, #tpu.memory_space<vmem_shared>>) target_semaphore(%run_scoped3A_65 : memref<!tpu.dma_semaphore, #tpu.memory_space<semaphore_mem>>)
      %dma_wait3A_78 = arith.constant 0 : i32
      %dma_wait3A_79 = arith.constant 0 : i32
      %dma_wait3A_80 = tpu.memref_slice %arg8[%run_scoped3A, %dma_wait3A_78, %dma_wait3A_79] : memref<2x128x64xf32, #tpu.memory_space<vmem>> -> memref<1x128x64xf32, #tpu.memory_space<vmem>>
      %dma_wait3A_81 = tpu.memref_squeeze %dma_wait3A_80 : memref<1x128x64xf32, #tpu.memory_space<vmem>> -> memref<128x64xf32, #tpu.memory_space<vmem>>
      %dma_wait3A_82 = arith.constant 0 : i32
      %dma_wait3A_83 = tpu.memref_slice %arg9[%add3A_7, %dma_wait3A_82] : memref<10240x64xf32, #tpu.memory_space<vmem_shared>> -> memref<128x64xf32, #tpu.memory_space<vmem_shared>>
      %dma_wait3A_84 = arith.constant 0 : i32
      %dma_wait3A_85 = tpu.memref_slice %arg9[%add3A_7, %dma_wait3A_84] : memref<10240x64xf32, #tpu.memory_space<vmem_shared>> -> memref<128x64xf32, #tpu.memory_space<vmem_shared>>
      %dma_wait3A_86 = arith.constant 0 : i32
      %dma_wait3A_87 = arith.constant 0 : i32
      %dma_wait3A_88 = tpu.memref_slice %arg8[%run_scoped3A, %dma_wait3A_86, %dma_wait3A_87] : memref<2x128x64xf32, #tpu.memory_space<vmem>> -> memref<1x128x64xf32, #tpu.memory_space<vmem>>
      %dma_wait3A_89 = tpu.memref_squeeze %dma_wait3A_88 : memref<1x128x64xf32, #tpu.memory_space<vmem>> -> memref<128x64xf32, #tpu.memory_space<vmem>>
      tpu.wait_dma2 semaphore(%run_scoped3A_65 : memref<!tpu.dma_semaphore, #tpu.memory_space<semaphore_mem>>) src(%dma_wait3A_89 : memref<128x64xf32, #tpu.memory_space<vmem>>) dst(%dma_wait3A_85 : memref<128x64xf32, #tpu.memory_space<vmem_shared>>)
      tpu.yield
    }) : () -> ()
    %mul3A_8 = arith.constant 640 : i32
    %mul3A_9 = arith.muli %arg1, %mul3A_8 : i32
    %add3A_10 = arith.constant 128 : i32
    %add3A_11 = arith.addi %mul3A_9, %add3A_10 : i32
    %run_scoped3A_12 = arith.constant 0 : i32
    "tpu.region"() ({
      %run_scoped3A_65 = tpu.sem_alloc : memref<!tpu.dma_semaphore, #tpu.memory_space<semaphore_mem>>
      %dma_start3A_66 = arith.constant 0 : i32
      %dma_start3A_67 = arith.constant 0 : i32
      %dma_start3A_68 = tpu.memref_slice %arg8[%run_scoped3A_12, %dma_start3A_66, %dma_start3A_67] : memref<2x128x64xf32, #tpu.memory_space<vmem>> -> memref<1x128x64xf32, #tpu.memory_space<vmem>>
      %dma_start3A_69 = tpu.memref_squeeze %dma_start3A_68 : memref<1x128x64xf32, #tpu.memory_space<vmem>> -> memref<128x64xf32, #tpu.memory_space<vmem>>
      %dma_start3A_70 = arith.constant 0 : i32
      %dma_start3A_71 = tpu.memref_slice %arg9[%add3A_11, %dma_start3A_70] : memref<10240x64xf32, #tpu.memory_space<vmem_shared>> -> memref<128x64xf32, #tpu.memory_space<vmem_shared>>
      %dma_start3A_72 = arith.constant 0 : i32
      %dma_start3A_73 = tpu.memref_slice %arg9[%add3A_11, %dma_start3A_72] : memref<10240x64xf32, #tpu.memory_space<vmem_shared>> -> memref<128x64xf32, #tpu.memory_space<vmem_shared>>
      %dma_start3A_74 = arith.constant 0 : i32
      %dma_start3A_75 = arith.constant 0 : i32
      %dma_start3A_76 = tpu.memref_slice %arg8[%run_scoped3A_12, %dma_start3A_74, %dma_start3A_75] : memref<2x128x64xf32, #tpu.memory_space<vmem>> -> memref<1x128x64xf32, #tpu.memory_space<vmem>>
      %dma_start3A_77 = tpu.memref_squeeze %dma_start3A_76 : memref<1x128x64xf32, #tpu.memory_space<vmem>> -> memref<128x64xf32, #tpu.memory_space<vmem>>
      tpu.enqueue_dma source(%dma_start3A_77 : memref<128x64xf32, #tpu.memory_space<vmem>>) target(%dma_start3A_73 : memref<128x64xf32, #tpu.memory_space<vmem_shared>>) target_semaphore(%run_scoped3A_65 : memref<!tpu.dma_semaphore, #tpu.memory_space<semaphore_mem>>)
      %dma_wait3A_78 = arith.constant 0 : i32
      %dma_wait3A_79 = arith.constant 0 : i32
      %dma_wait3A_80 = tpu.memref_slice %arg8[%run_scoped3A_12, %dma_wait3A_78, %dma_wait3A_79] : memref<2x128x64xf32, #tpu.memory_space<vmem>> -> memref<1x128x64xf32, #tpu.memory_space<vmem>>
      %dma_wait3A_81 = tpu.memref_squeeze %dma_wait3A_80 : memref<1x128x64xf32, #tpu.memory_space<vmem>> -> memref<128x64xf32, #tpu.memory_space<vmem>>
      %dma_wait3A_82 = arith.constant 0 : i32
      %dma_wait3A_83 = tpu.memref_slice %arg9[%add3A_11, %dma_wait3A_82] : memref<10240x64xf32, #tpu.memory_space<vmem_shared>> -> memref<128x64xf32, #tpu.memory_space<vmem_shared>>
      %dma_wait3A_84 = arith.constant 0 : i32
      %dma_wait3A_85 = tpu.memref_slice %arg9[%add3A_11, %dma_wait3A_84] : memref<10240x64xf32, #tpu.memory_space<vmem_shared>> -> memref<128x64xf32, #tpu.memory_space<vmem_shared>>
      %dma_wait3A_86 = arith.constant 0 : i32
      %dma_wait3A_87 = arith.constant 0 : i32
      %dma_wait3A_88 = tpu.memref_slice %arg8[%run_scoped3A_12, %dma_wait3A_86, %dma_wait3A_87] : memref<2x128x64xf32, #tpu.memory_space<vmem>> -> memref<1x128x64xf32, #tpu.memory_space<vmem>>
      %dma_wait3A_89 = tpu.memref_squeeze %dma_wait3A_88 : memref<1x128x64xf32, #tpu.memory_space<vmem>> -> memref<128x64xf32, #tpu.memory_space<vmem>>
      tpu.wait_dma2 semaphore(%run_scoped3A_65 : memref<!tpu.dma_semaphore, #tpu.memory_space<semaphore_mem>>) src(%dma_wait3A_89 : memref<128x64xf32, #tpu.memory_space<vmem>>) dst(%dma_wait3A_85 : memref<128x64xf32, #tpu.memory_space<vmem_shared>>)
      tpu.yield
    }) : () -> ()
    %mul3A_13 = arith.constant 640 : i32
    %mul3A_14 = arith.muli %arg1, %mul3A_13 : i32
    %add3A_15 = arith.constant 256 : i32
    %add3A_16 = arith.addi %mul3A_14, %add3A_15 : i32
    %run_scoped3A_17 = arith.constant 0 : i32
    "tpu.region"() ({
      %run_scoped3A_65 = tpu.sem_alloc : memref<!tpu.dma_semaphore, #tpu.memory_space<semaphore_mem>>
      %dma_start3A_66 = arith.constant 0 : i32
      %dma_start3A_67 = arith.constant 0 : i32
      %dma_start3A_68 = tpu.memref_slice %arg8[%run_scoped3A_17, %dma_start3A_66, %dma_start3A_67] : memref<2x128x64xf32, #tpu.memory_space<vmem>> -> memref<1x128x64xf32, #tpu.memory_space<vmem>>
      %dma_start3A_69 = tpu.memref_squeeze %dma_start3A_68 : memref<1x128x64xf32, #tpu.memory_space<vmem>> -> memref<128x64xf32, #tpu.memory_space<vmem>>
      %dma_start3A_70 = arith.constant 0 : i32
      %dma_start3A_71 = tpu.memref_slice %arg9[%add3A_16, %dma_start3A_70] : memref<10240x64xf32, #tpu.memory_space<vmem_shared>> -> memref<128x64xf32, #tpu.memory_space<vmem_shared>>
      %dma_start3A_72 = arith.constant 0 : i32
      %dma_start3A_73 = tpu.memref_slice %arg9[%add3A_16, %dma_start3A_72] : memref<10240x64xf32, #tpu.memory_space<vmem_shared>> -> memref<128x64xf32, #tpu.memory_space<vmem_shared>>
      %dma_start3A_74 = arith.constant 0 : i32
      %dma_start3A_75 = arith.constant 0 : i32
      %dma_start3A_76 = tpu.memref_slice %arg8[%run_scoped3A_17, %dma_start3A_74, %dma_start3A_75] : memref<2x128x64xf32, #tpu.memory_space<vmem>> -> memref<1x128x64xf32, #tpu.memory_space<vmem>>
      %dma_start3A_77 = tpu.memref_squeeze %dma_start3A_76 : memref<1x128x64xf32, #tpu.memory_space<vmem>> -> memref<128x64xf32, #tpu.memory_space<vmem>>
      tpu.enqueue_dma source(%dma_start3A_77 : memref<128x64xf32, #tpu.memory_space<vmem>>) target(%dma_start3A_73 : memref<128x64xf32, #tpu.memory_space<vmem_shared>>) target_semaphore(%run_scoped3A_65 : memref<!tpu.dma_semaphore, #tpu.memory_space<semaphore_mem>>)
      %dma_wait3A_78 = arith.constant 0 : i32
      %dma_wait3A_79 = arith.constant 0 : i32
      %dma_wait3A_80 = tpu.memref_slice %arg8[%run_scoped3A_17, %dma_wait3A_78, %dma_wait3A_79] : memref<2x128x64xf32, #tpu.memory_space<vmem>> -> memref<1x128x64xf32, #tpu.memory_space<vmem>>
      %dma_wait3A_81 = tpu.memref_squeeze %dma_wait3A_80 : memref<1x128x64xf32, #tpu.memory_space<vmem>> -> memref<128x64xf32, #tpu.memory_space<vmem>>
      %dma_wait3A_82 = arith.constant 0 : i32
      %dma_wait3A_83 = tpu.memref_slice %arg9[%add3A_16, %dma_wait3A_82] : memref<10240x64xf32, #tpu.memory_space<vmem_shared>> -> memref<128x64xf32, #tpu.memory_space<vmem_shared>>
      %dma_wait3A_84 = arith.constant 0 : i32
      %dma_wait3A_85 = tpu.memref_slice %arg9[%add3A_16, %dma_wait3A_84] : memref<10240x64xf32, #tpu.memory_space<vmem_shared>> -> memref<128x64xf32, #tpu.memory_space<vmem_shared>>
      %dma_wait3A_86 = arith.constant 0 : i32
      %dma_wait3A_87 = arith.constant 0 : i32
      %dma_wait3A_88 = tpu.memref_slice %arg8[%run_scoped3A_17, %dma_wait3A_86, %dma_wait3A_87] : memref<2x128x64xf32, #tpu.memory_space<vmem>> -> memref<1x128x64xf32, #tpu.memory_space<vmem>>
      %dma_wait3A_89 = tpu.memref_squeeze %dma_wait3A_88 : memref<1x128x64xf32, #tpu.memory_space<vmem>> -> memref<128x64xf32, #tpu.memory_space<vmem>>
      tpu.wait_dma2 semaphore(%run_scoped3A_65 : memref<!tpu.dma_semaphore, #tpu.memory_space<semaphore_mem>>) src(%dma_wait3A_89 : memref<128x64xf32, #tpu.memory_space<vmem>>) dst(%dma_wait3A_85 : memref<128x64xf32, #tpu.memory_space<vmem_shared>>)
      tpu.yield
    }) : () -> ()
    %mul3A_18 = arith.constant 640 : i32
    %mul3A_19 = arith.muli %arg1, %mul3A_18 : i32
    %add3A_20 = arith.constant 384 : i32
    %add3A_21 = arith.addi %mul3A_19, %add3A_20 : i32
    %run_scoped3A_22 = arith.constant 0 : i32
    "tpu.region"() ({
      %run_scoped3A_65 = tpu.sem_alloc : memref<!tpu.dma_semaphore, #tpu.memory_space<semaphore_mem>>
      %dma_start3A_66 = arith.constant 0 : i32
      %dma_start3A_67 = arith.constant 0 : i32
      %dma_start3A_68 = tpu.memref_slice %arg8[%run_scoped3A_22, %dma_start3A_66, %dma_start3A_67] : memref<2x128x64xf32, #tpu.memory_space<vmem>> -> memref<1x128x64xf32, #tpu.memory_space<vmem>>
      %dma_start3A_69 = tpu.memref_squeeze %dma_start3A_68 : memref<1x128x64xf32, #tpu.memory_space<vmem>> -> memref<128x64xf32, #tpu.memory_space<vmem>>
      %dma_start3A_70 = arith.constant 0 : i32
      %dma_start3A_71 = tpu.memref_slice %arg9[%add3A_21, %dma_start3A_70] : memref<10240x64xf32, #tpu.memory_space<vmem_shared>> -> memref<128x64xf32, #tpu.memory_space<vmem_shared>>
      %dma_start3A_72 = arith.constant 0 : i32
      %dma_start3A_73 = tpu.memref_slice %arg9[%add3A_21, %dma_start3A_72] : memref<10240x64xf32, #tpu.memory_space<vmem_shared>> -> memref<128x64xf32, #tpu.memory_space<vmem_shared>>
      %dma_start3A_74 = arith.constant 0 : i32
      %dma_start3A_75 = arith.constant 0 : i32
      %dma_start3A_76 = tpu.memref_slice %arg8[%run_scoped3A_22, %dma_start3A_74, %dma_start3A_75] : memref<2x128x64xf32, #tpu.memory_space<vmem>> -> memref<1x128x64xf32, #tpu.memory_space<vmem>>
      %dma_start3A_77 = tpu.memref_squeeze %dma_start3A_76 : memref<1x128x64xf32, #tpu.memory_space<vmem>> -> memref<128x64xf32, #tpu.memory_space<vmem>>
      tpu.enqueue_dma source(%dma_start3A_77 : memref<128x64xf32, #tpu.memory_space<vmem>>) target(%dma_start3A_73 : memref<128x64xf32, #tpu.memory_space<vmem_shared>>) target_semaphore(%run_scoped3A_65 : memref<!tpu.dma_semaphore, #tpu.memory_space<semaphore_mem>>)
      %dma_wait3A_78 = arith.constant 0 : i32
      %dma_wait3A_79 = arith.constant 0 : i32
      %dma_wait3A_80 = tpu.memref_slice %arg8[%run_scoped3A_22, %dma_wait3A_78, %dma_wait3A_79] : memref<2x128x64xf32, #tpu.memory_space<vmem>> -> memref<1x128x64xf32, #tpu.memory_space<vmem>>
      %dma_wait3A_81 = tpu.memref_squeeze %dma_wait3A_80 : memref<1x128x64xf32, #tpu.memory_space<vmem>> -> memref<128x64xf32, #tpu.memory_space<vmem>>
      %dma_wait3A_82 = arith.constant 0 : i32
      %dma_wait3A_83 = tpu.memref_slice %arg9[%add3A_21, %dma_wait3A_82] : memref<10240x64xf32, #tpu.memory_space<vmem_shared>> -> memref<128x64xf32, #tpu.memory_space<vmem_shared>>
      %dma_wait3A_84 = arith.constant 0 : i32
      %dma_wait3A_85 = tpu.memref_slice %arg9[%add3A_21, %dma_wait3A_84] : memref<10240x64xf32, #tpu.memory_space<vmem_shared>> -> memref<128x64xf32, #tpu.memory_space<vmem_shared>>
      %dma_wait3A_86 = arith.constant 0 : i32
      %dma_wait3A_87 = arith.constant 0 : i32
      %dma_wait3A_88 = tpu.memref_slice %arg8[%run_scoped3A_22, %dma_wait3A_86, %dma_wait3A_87] : memref<2x128x64xf32, #tpu.memory_space<vmem>> -> memref<1x128x64xf32, #tpu.memory_space<vmem>>
      %dma_wait3A_89 = tpu.memref_squeeze %dma_wait3A_88 : memref<1x128x64xf32, #tpu.memory_space<vmem>> -> memref<128x64xf32, #tpu.memory_space<vmem>>
      tpu.wait_dma2 semaphore(%run_scoped3A_65 : memref<!tpu.dma_semaphore, #tpu.memory_space<semaphore_mem>>) src(%dma_wait3A_89 : memref<128x64xf32, #tpu.memory_space<vmem>>) dst(%dma_wait3A_85 : memref<128x64xf32, #tpu.memory_space<vmem_shared>>)
      tpu.yield
    }) : () -> ()
    %mul3A_23 = arith.constant 640 : i32
    %mul3A_24 = arith.muli %arg1, %mul3A_23 : i32
    %add3A_25 = arith.constant 512 : i32
    %add3A_26 = arith.addi %mul3A_24, %add3A_25 : i32
    %run_scoped3A_27 = arith.constant 0 : i32
    "tpu.region"() ({
      %run_scoped3A_65 = tpu.sem_alloc : memref<!tpu.dma_semaphore, #tpu.memory_space<semaphore_mem>>
      %dma_start3A_66 = arith.constant 0 : i32
      %dma_start3A_67 = arith.constant 0 : i32
      %dma_start3A_68 = tpu.memref_slice %arg8[%run_scoped3A_27, %dma_start3A_66, %dma_start3A_67] : memref<2x128x64xf32, #tpu.memory_space<vmem>> -> memref<1x128x64xf32, #tpu.memory_space<vmem>>
      %dma_start3A_69 = tpu.memref_squeeze %dma_start3A_68 : memref<1x128x64xf32, #tpu.memory_space<vmem>> -> memref<128x64xf32, #tpu.memory_space<vmem>>
      %dma_start3A_70 = arith.constant 0 : i32
      %dma_start3A_71 = tpu.memref_slice %arg9[%add3A_26, %dma_start3A_70] : memref<10240x64xf32, #tpu.memory_space<vmem_shared>> -> memref<128x64xf32, #tpu.memory_space<vmem_shared>>
      %dma_start3A_72 = arith.constant 0 : i32
      %dma_start3A_73 = tpu.memref_slice %arg9[%add3A_26, %dma_start3A_72] : memref<10240x64xf32, #tpu.memory_space<vmem_shared>> -> memref<128x64xf32, #tpu.memory_space<vmem_shared>>
      %dma_start3A_74 = arith.constant 0 : i32
      %dma_start3A_75 = arith.constant 0 : i32
      %dma_start3A_76 = tpu.memref_slice %arg8[%run_scoped3A_27, %dma_start3A_74, %dma_start3A_75] : memref<2x128x64xf32, #tpu.memory_space<vmem>> -> memref<1x128x64xf32, #tpu.memory_space<vmem>>
      %dma_start3A_77 = tpu.memref_squeeze %dma_start3A_76 : memref<1x128x64xf32, #tpu.memory_space<vmem>> -> memref<128x64xf32, #tpu.memory_space<vmem>>
      tpu.enqueue_dma source(%dma_start3A_77 : memref<128x64xf32, #tpu.memory_space<vmem>>) target(%dma_start3A_73 : memref<128x64xf32, #tpu.memory_space<vmem_shared>>) target_semaphore(%run_scoped3A_65 : memref<!tpu.dma_semaphore, #tpu.memory_space<semaphore_mem>>)
      %dma_wait3A_78 = arith.constant 0 : i32
      %dma_wait3A_79 = arith.constant 0 : i32
      %dma_wait3A_80 = tpu.memref_slice %arg8[%run_scoped3A_27, %dma_wait3A_78, %dma_wait3A_79] : memref<2x128x64xf32, #tpu.memory_space<vmem>> -> memref<1x128x64xf32, #tpu.memory_space<vmem>>
      %dma_wait3A_81 = tpu.memref_squeeze %dma_wait3A_80 : memref<1x128x64xf32, #tpu.memory_space<vmem>> -> memref<128x64xf32, #tpu.memory_space<vmem>>
      %dma_wait3A_82 = arith.constant 0 : i32
      %dma_wait3A_83 = tpu.memref_slice %arg9[%add3A_26, %dma_wait3A_82] : memref<10240x64xf32, #tpu.memory_space<vmem_shared>> -> memref<128x64xf32, #tpu.memory_space<vmem_shared>>
      %dma_wait3A_84 = arith.constant 0 : i32
      %dma_wait3A_85 = tpu.memref_slice %arg9[%add3A_26, %dma_wait3A_84] : memref<10240x64xf32, #tpu.memory_space<vmem_shared>> -> memref<128x64xf32, #tpu.memory_space<vmem_shared>>
      %dma_wait3A_86 = arith.constant 0 : i32
      %dma_wait3A_87 = arith.constant 0 : i32
      %dma_wait3A_88 = tpu.memref_slice %arg8[%run_scoped3A_27, %dma_wait3A_86, %dma_wait3A_87] : memref<2x128x64xf32, #tpu.memory_space<vmem>> -> memref<1x128x64xf32, #tpu.memory_space<vmem>>
      %dma_wait3A_89 = tpu.memref_squeeze %dma_wait3A_88 : memref<1x128x64xf32, #tpu.memory_space<vmem>> -> memref<128x64xf32, #tpu.memory_space<vmem>>
      tpu.wait_dma2 semaphore(%run_scoped3A_65 : memref<!tpu.dma_semaphore, #tpu.memory_space<semaphore_mem>>) src(%dma_wait3A_89 : memref<128x64xf32, #tpu.memory_space<vmem>>) dst(%dma_wait3A_85 : memref<128x64xf32, #tpu.memory_space<vmem_shared>>)
      tpu.yield
    }) : () -> ()
    %barrier3A = arith.constant 0 : index
    tpu.barrier barrier_id(%barrier3A)
    %mul3A_28 = arith.constant 16 : i32
    %mul3A_29 = arith.muli %arg0, %mul3A_28 : i32
    %add3A_30 = arith.addi %mul3A_29, %arg1 : i32
    "tpu.region"() ({
      %run_scoped3A_65 = tpu.sem_alloc : memref<!tpu.dma_semaphore, #tpu.memory_space<semaphore_mem>>
      %dma_start3A_66 = arith.constant 0 : i32
      %dma_start3A_67 = arith.constant 0 : i32
      %dma_start3A_68 = tpu.memref_slice %arg3[%add3A_30, %dma_start3A_66, %dma_start3A_67] : memref<32x40x128xi32, #tpu.memory_space<hbm>> -> memref<1x40x128xi32, #tpu.memory_space<hbm>>
      %dma_start3A_69 = tpu.memref_squeeze %dma_start3A_68 : memref<1x40x128xi32, #tpu.memory_space<hbm>> -> memref<40x128xi32, #tpu.memory_space<hbm>>
      %dma_start3A_70 = arith.constant 0 : i32
      %dma_start3A_71 = arith.constant 0 : i32
      %dma_start3A_72 = tpu.memref_slice %arg3[%add3A_30, %dma_start3A_70, %dma_start3A_71] : memref<32x40x128xi32, #tpu.memory_space<hbm>> -> memref<1x40x128xi32, #tpu.memory_space<hbm>>
      %dma_start3A_73 = tpu.memref_squeeze %dma_start3A_72 : memref<1x40x128xi32, #tpu.memory_space<hbm>> -> memref<40x128xi32, #tpu.memory_space<hbm>>
      tpu.enqueue_dma source(%dma_start3A_73 : memref<40x128xi32, #tpu.memory_space<hbm>>) target(%arg6 : memref<40x128xi32, #tpu.memory_space<vmem>>) target_semaphore(%run_scoped3A_65 : memref<!tpu.dma_semaphore, #tpu.memory_space<semaphore_mem>>)
      %dma_wait3A_74 = arith.constant 0 : i32
      %dma_wait3A_75 = arith.constant 0 : i32
      %dma_wait3A_76 = tpu.memref_slice %arg3[%add3A_30, %dma_wait3A_74, %dma_wait3A_75] : memref<32x40x128xi32, #tpu.memory_space<hbm>> -> memref<1x40x128xi32, #tpu.memory_space<hbm>>
      %dma_wait3A_77 = tpu.memref_squeeze %dma_wait3A_76 : memref<1x40x128xi32, #tpu.memory_space<hbm>> -> memref<40x128xi32, #tpu.memory_space<hbm>>
      %dma_wait3A_78 = arith.constant 0 : i32
      %dma_wait3A_79 = arith.constant 0 : i32
      %dma_wait3A_80 = tpu.memref_slice %arg3[%add3A_30, %dma_wait3A_78, %dma_wait3A_79] : memref<32x40x128xi32, #tpu.memory_space<hbm>> -> memref<1x40x128xi32, #tpu.memory_space<hbm>>
      %dma_wait3A_81 = tpu.memref_squeeze %dma_wait3A_80 : memref<1x40x128xi32, #tpu.memory_space<hbm>> -> memref<40x128xi32, #tpu.memory_space<hbm>>
      tpu.wait_dma2 semaphore(%run_scoped3A_65 : memref<!tpu.dma_semaphore, #tpu.memory_space<semaphore_mem>>) src(%dma_wait3A_81 : memref<40x128xi32, #tpu.memory_space<hbm>>) dst(%arg6 : memref<40x128xi32, #tpu.memory_space<vmem>>)
      tpu.yield
    }) : () -> ()
    "tpu.region"() ({
      %run_scoped3A_65 = tpu.sem_alloc : memref<!tpu.dma_semaphore, #tpu.memory_space<semaphore_mem>>
      %dma_start3A_66 = arith.constant 0 : i32
      %dma_start3A_67 = arith.constant 0 : i32
      %dma_start3A_68 = tpu.memref_slice %arg4[%add3A_30, %dma_start3A_66, %dma_start3A_67] : memref<32x40x128xi32, #tpu.memory_space<hbm>> -> memref<1x40x128xi32, #tpu.memory_space<hbm>>
      %dma_start3A_69 = tpu.memref_squeeze %dma_start3A_68 : memref<1x40x128xi32, #tpu.memory_space<hbm>> -> memref<40x128xi32, #tpu.memory_space<hbm>>
      %dma_start3A_70 = arith.constant 0 : i32
      %dma_start3A_71 = arith.constant 0 : i32
      %dma_start3A_72 = tpu.memref_slice %arg4[%add3A_30, %dma_start3A_70, %dma_start3A_71] : memref<32x40x128xi32, #tpu.memory_space<hbm>> -> memref<1x40x128xi32, #tpu.memory_space<hbm>>
      %dma_start3A_73 = tpu.memref_squeeze %dma_start3A_72 : memref<1x40x128xi32, #tpu.memory_space<hbm>> -> memref<40x128xi32, #tpu.memory_space<hbm>>
      tpu.enqueue_dma source(%dma_start3A_73 : memref<40x128xi32, #tpu.memory_space<hbm>>) target(%arg7 : memref<40x128xi32, #tpu.memory_space<vmem>>) target_semaphore(%run_scoped3A_65 : memref<!tpu.dma_semaphore, #tpu.memory_space<semaphore_mem>>)
      %dma_wait3A_74 = arith.constant 0 : i32
      %dma_wait3A_75 = arith.constant 0 : i32
      %dma_wait3A_76 = tpu.memref_slice %arg4[%add3A_30, %dma_wait3A_74, %dma_wait3A_75] : memref<32x40x128xi32, #tpu.memory_space<hbm>> -> memref<1x40x128xi32, #tpu.memory_space<hbm>>
      %dma_wait3A_77 = tpu.memref_squeeze %dma_wait3A_76 : memref<1x40x128xi32, #tpu.memory_space<hbm>> -> memref<40x128xi32, #tpu.memory_space<hbm>>
      %dma_wait3A_78 = arith.constant 0 : i32
      %dma_wait3A_79 = arith.constant 0 : i32
      %dma_wait3A_80 = tpu.memref_slice %arg4[%add3A_30, %dma_wait3A_78, %dma_wait3A_79] : memref<32x40x128xi32, #tpu.memory_space<hbm>> -> memref<1x40x128xi32, #tpu.memory_space<hbm>>
      %dma_wait3A_81 = tpu.memref_squeeze %dma_wait3A_80 : memref<1x40x128xi32, #tpu.memory_space<hbm>> -> memref<40x128xi32, #tpu.memory_space<hbm>>
      tpu.wait_dma2 semaphore(%run_scoped3A_65 : memref<!tpu.dma_semaphore, #tpu.memory_space<semaphore_mem>>) src(%dma_wait3A_81 : memref<40x128xi32, #tpu.memory_space<hbm>>) dst(%arg7 : memref<40x128xi32, #tpu.memory_space<vmem>>)
      tpu.yield
    }) : () -> ()
    %dma_start3A = arith.constant 0 : i32
    %dma_start3A_31 = arith.constant 0 : i32
    %dma_start3A_32 = arith.constant 0 : i32
    %dma_start3A_33 = arith.constant 0 : i32
    %dma_start3A_34 = tpu.memref_slice %arg8[%dma_start3A_31, %dma_start3A_32, %dma_start3A_33] : memref<2x128x64xf32, #tpu.memory_space<vmem>> -> memref<1x128x64xf32, #tpu.memory_space<vmem>>
    %dma_start3A_35 = tpu.memref_squeeze %dma_start3A_34 : memref<1x128x64xf32, #tpu.memory_space<vmem>> -> memref<128x64xf32, #tpu.memory_space<vmem>>
    %dma_start3A_36 = arith.constant 0 : i32
    %dma_start3A_37 = tpu.memref_slice %arg6[%dma_start3A, %dma_start3A_36] : memref<40x128xi32, #tpu.memory_space<vmem>> -> memref<1x128xi32, #tpu.memory_space<vmem>>
    %dma_start3A_38 = tpu.memref_squeeze %dma_start3A_37 : memref<1x128xi32, #tpu.memory_space<vmem>> -> memref<128xi32, #tpu.memory_space<vmem>>
    %dma_start3A_39 = arith.constant 0 : i32
    %dma_start3A_40 = arith.constant 0 : i32
    %dma_start3A_41 = tpu.memref_slice %arg2[%dma_start3A_39, %dma_start3A_40] : memref<10000x64xf32, #tpu.memory_space<hbm>> -> memref<10000x64xf32, #tpu.memory_space<hbm>>
    tpu.enqueue_indirect_dma source(%dma_start3A_41 : memref<10000x64xf32, #tpu.memory_space<hbm>>) target(%dma_start3A_35 : memref<128x64xf32, #tpu.memory_space<vmem>>) offsets(%dma_start3A_38 : memref<128xi32, #tpu.memory_space<vmem>>) semaphore(%arg10 : memref<!tpu.dma_semaphore, #tpu.memory_space<semaphore_mem>>)
    %scan3A_42 = arith.constant 0 : i32
    %scan3A_43 = arith.constant 0 : i32
    %scan3A_44 = arith.constant 20 : i32
    %scan3A_45 = arith.addi %scan3A_43, %scan3A_44 : i32
    %scan3A_46 = arith.constant 1 : i32
    %scan3A_47 = scf.for %scan3A_65 = %scan3A_43 to %scan3A_45 step %scan3A_46 iter_args(%scan3A_66 = %scan3A_42) -> (i32)  : i32 {
      %mul3A_67 = arith.constant 2 : i32
      %mul3A_68 = arith.muli %scan3A_65, %mul3A_67 : i32
      %add3A_69 = arith.constant 0 : i32
      %add3A_70 = arith.addi %mul3A_68, %add3A_69 : i32
      %dma_wait3A_71 = arith.constant 0 : i32
      %dma_wait3A_72 = arith.constant 0 : i32
      %dma_wait3A_73 = arith.constant 0 : i32
      %dma_wait3A_74 = tpu.memref_slice %arg8[%dma_wait3A_71, %dma_wait3A_72, %dma_wait3A_73] : memref<2x128x64xf32, #tpu.memory_space<vmem>> -> memref<1x128x64xf32, #tpu.memory_space<vmem>>
      %dma_wait3A_75 = tpu.memref_squeeze %dma_wait3A_74 : memref<1x128x64xf32, #tpu.memory_space<vmem>> -> memref<128x64xf32, #tpu.memory_space<vmem>>
      %dma_wait3A_76 = arith.constant 0 : i32
      %dma_wait3A_77 = tpu.memref_slice %arg6[%add3A_70, %dma_wait3A_76] : memref<40x128xi32, #tpu.memory_space<vmem>> -> memref<1x128xi32, #tpu.memory_space<vmem>>
      %dma_wait3A_78 = tpu.memref_squeeze %dma_wait3A_77 : memref<1x128xi32, #tpu.memory_space<vmem>> -> memref<128xi32, #tpu.memory_space<vmem>>
      %dma_wait3A_79 = arith.constant 0 : i32
      %dma_wait3A_80 = arith.constant 0 : i32
      %dma_wait3A_81 = tpu.memref_slice %arg2[%dma_wait3A_79, %dma_wait3A_80] : memref<10000x64xf32, #tpu.memory_space<hbm>> -> memref<10000x64xf32, #tpu.memory_space<hbm>>
      tpu.wait_indirect_dma semaphore(%arg10 : memref<!tpu.dma_semaphore, #tpu.memory_space<semaphore_mem>>) src(%dma_wait3A_81 : memref<10000x64xf32, #tpu.memory_space<hbm>>) dst(%dma_wait3A_75 : memref<128x64xf32, #tpu.memory_space<vmem>>)
      %dma_start3A_82 = arith.constant 0 : i32
      %dma_start3A_83 = arith.constant 0 : i32
      %dma_start3A_84 = arith.constant 0 : i32
      %dma_start3A_85 = tpu.memref_slice %arg8[%dma_start3A_82, %dma_start3A_83, %dma_start3A_84] : memref<2x128x64xf32, #tpu.memory_space<vmem>> -> memref<1x128x64xf32, #tpu.memory_space<vmem>>
      %dma_start3A_86 = tpu.memref_squeeze %dma_start3A_85 : memref<1x128x64xf32, #tpu.memory_space<vmem>> -> memref<128x64xf32, #tpu.memory_space<vmem>>
      %dma_start3A_87 = arith.constant 0 : i32
      %dma_start3A_88 = tpu.memref_slice %arg7[%add3A_70, %dma_start3A_87] : memref<40x128xi32, #tpu.memory_space<vmem>> -> memref<1x128xi32, #tpu.memory_space<vmem>>
      %dma_start3A_89 = tpu.memref_squeeze %dma_start3A_88 : memref<1x128xi32, #tpu.memory_space<vmem>> -> memref<128xi32, #tpu.memory_space<vmem>>
      %dma_start3A_90 = arith.constant 0 : i32
      %dma_start3A_91 = arith.constant 0 : i32
      %dma_start3A_92 = tpu.memref_slice %arg9[%dma_start3A_90, %dma_start3A_91] : memref<10240x64xf32, #tpu.memory_space<vmem_shared>> -> memref<10240x64xf32, #tpu.memory_space<vmem_shared>>
      tpu.enqueue_indirect_dma source(%dma_start3A_86 : memref<128x64xf32, #tpu.memory_space<vmem>>) target(%dma_start3A_92 : memref<10240x64xf32, #tpu.memory_space<vmem_shared>>) offsets(%dma_start3A_89 : memref<128xi32, #tpu.memory_space<vmem>>) semaphore(%arg12 : memref<!tpu.dma_semaphore, #tpu.memory_space<semaphore_mem>>) {add = true}
      %gt3A = arith.constant 0 : i32
      %gt3A_93 = arith.cmpi sgt, %scan3A_65, %gt3A : i32
      %convert_element_type3A = arith.extui %gt3A_93 : i1 to i32
      %cond3A = arith.constant 0 : i32
      %cond3A_94 = arith.cmpi ne, %convert_element_type3A, %cond3A : i32
      scf.if %cond3A_94 {
        %sub3A_151 = arith.constant 1 : i32
        %sub3A_152 = arith.subi %add3A_70, %sub3A_151 : i32
        %dma_wait3A_153 = arith.constant 1 : i32
        %dma_wait3A_154 = arith.constant 0 : i32
        %dma_wait3A_155 = arith.constant 0 : i32
        %dma_wait3A_156 = tpu.memref_slice %arg8[%dma_wait3A_153, %dma_wait3A_154, %dma_wait3A_155] : memref<2x128x64xf32, #tpu.memory_space<vmem>> -> memref<1x128x64xf32, #tpu.memory_space<vmem>>
        %dma_wait3A_157 = tpu.memref_squeeze %dma_wait3A_156 : memref<1x128x64xf32, #tpu.memory_space<vmem>> -> memref<128x64xf32, #tpu.memory_space<vmem>>
        %dma_wait3A_158 = arith.constant 0 : i32
        %dma_wait3A_159 = tpu.memref_slice %arg7[%sub3A_152, %dma_wait3A_158] : memref<40x128xi32, #tpu.memory_space<vmem>> -> memref<1x128xi32, #tpu.memory_space<vmem>>
        %dma_wait3A_160 = tpu.memref_squeeze %dma_wait3A_159 : memref<1x128xi32, #tpu.memory_space<vmem>> -> memref<128xi32, #tpu.memory_space<vmem>>
        %dma_wait3A_161 = arith.constant 0 : i32
        %dma_wait3A_162 = arith.constant 0 : i32
        %dma_wait3A_163 = tpu.memref_slice %arg9[%dma_wait3A_161, %dma_wait3A_162] : memref<10240x64xf32, #tpu.memory_space<vmem_shared>> -> memref<10240x64xf32, #tpu.memory_space<vmem_shared>>
        tpu.wait_indirect_dma semaphore(%arg13 : memref<!tpu.dma_semaphore, #tpu.memory_space<semaphore_mem>>) src(%dma_wait3A_157 : memref<128x64xf32, #tpu.memory_space<vmem>>) dst(%dma_wait3A_163 : memref<10240x64xf32, #tpu.memory_space<vmem_shared>>)
      } else {
      }
      %add3A_95 = arith.constant 2 : i32
      %add3A_96 = arith.addi %add3A_70, %add3A_95 : i32
      %sub3A = arith.constant 1 : i32
      %sub3A_97 = arith.subi %add3A_96, %sub3A : i32
      %lt3A = arith.constant 40 : i32
      %lt3A_98 = arith.cmpi slt, %sub3A_97, %lt3A : i32
      %convert_element_type3A_99 = arith.extui %lt3A_98 : i1 to i32
      %cond3A_100 = arith.constant 0 : i32
      %cond3A_101 = arith.cmpi ne, %convert_element_type3A_99, %cond3A_100 : i32
      scf.if %cond3A_101 {
        %add3A_151 = arith.constant 2 : i32
        %add3A_152 = arith.addi %add3A_70, %add3A_151 : i32
        %sub3A_153 = arith.constant 1 : i32
        %sub3A_154 = arith.subi %add3A_152, %sub3A_153 : i32
        %dma_start3A_155 = arith.constant 1 : i32
        %dma_start3A_156 = arith.constant 0 : i32
        %dma_start3A_157 = arith.constant 0 : i32
        %dma_start3A_158 = tpu.memref_slice %arg8[%dma_start3A_155, %dma_start3A_156, %dma_start3A_157] : memref<2x128x64xf32, #tpu.memory_space<vmem>> -> memref<1x128x64xf32, #tpu.memory_space<vmem>>
        %dma_start3A_159 = tpu.memref_squeeze %dma_start3A_158 : memref<1x128x64xf32, #tpu.memory_space<vmem>> -> memref<128x64xf32, #tpu.memory_space<vmem>>
        %dma_start3A_160 = arith.constant 0 : i32
        %dma_start3A_161 = tpu.memref_slice %arg6[%sub3A_154, %dma_start3A_160] : memref<40x128xi32, #tpu.memory_space<vmem>> -> memref<1x128xi32, #tpu.memory_space<vmem>>
        %dma_start3A_162 = tpu.memref_squeeze %dma_start3A_161 : memref<1x128xi32, #tpu.memory_space<vmem>> -> memref<128xi32, #tpu.memory_space<vmem>>
        %dma_start3A_163 = arith.constant 0 : i32
        %dma_start3A_164 = arith.constant 0 : i32
        %dma_start3A_165 = tpu.memref_slice %arg2[%dma_start3A_163, %dma_start3A_164] : memref<10000x64xf32, #tpu.memory_space<hbm>> -> memref<10000x64xf32, #tpu.memory_space<hbm>>
        tpu.enqueue_indirect_dma source(%dma_start3A_165 : memref<10000x64xf32, #tpu.memory_space<hbm>>) target(%dma_start3A_159 : memref<128x64xf32, #tpu.memory_space<vmem>>) offsets(%dma_start3A_162 : memref<128xi32, #tpu.memory_space<vmem>>) semaphore(%arg11 : memref<!tpu.dma_semaphore, #tpu.memory_space<semaphore_mem>>)
      } else {
      }
      %mul3A_102 = arith.constant 2 : i32
      %mul3A_103 = arith.muli %scan3A_65, %mul3A_102 : i32
      %add3A_104 = arith.constant 1 : i32
      %add3A_105 = arith.addi %mul3A_103, %add3A_104 : i32
      %dma_wait3A_106 = arith.constant 1 : i32
      %dma_wait3A_107 = arith.constant 0 : i32
      %dma_wait3A_108 = arith.constant 0 : i32
      %dma_wait3A_109 = tpu.memref_slice %arg8[%dma_wait3A_106, %dma_wait3A_107, %dma_wait3A_108] : memref<2x128x64xf32, #tpu.memory_space<vmem>> -> memref<1x128x64xf32, #tpu.memory_space<vmem>>
      %dma_wait3A_110 = tpu.memref_squeeze %dma_wait3A_109 : memref<1x128x64xf32, #tpu.memory_space<vmem>> -> memref<128x64xf32, #tpu.memory_space<vmem>>
      %dma_wait3A_111 = arith.constant 0 : i32
      %dma_wait3A_112 = tpu.memref_slice %arg6[%add3A_105, %dma_wait3A_111] : memref<40x128xi32, #tpu.memory_space<vmem>> -> memref<1x128xi32, #tpu.memory_space<vmem>>
      %dma_wait3A_113 = tpu.memref_squeeze %dma_wait3A_112 : memref<1x128xi32, #tpu.memory_space<vmem>> -> memref<128xi32, #tpu.memory_space<vmem>>
      %dma_wait3A_114 = arith.constant 0 : i32
      %dma_wait3A_115 = arith.constant 0 : i32
      %dma_wait3A_116 = tpu.memref_slice %arg2[%dma_wait3A_114, %dma_wait3A_115] : memref<10000x64xf32, #tpu.memory_space<hbm>> -> memref<10000x64xf32, #tpu.memory_space<hbm>>
      tpu.wait_indirect_dma semaphore(%arg11 : memref<!tpu.dma_semaphore, #tpu.memory_space<semaphore_mem>>) src(%dma_wait3A_116 : memref<10000x64xf32, #tpu.memory_space<hbm>>) dst(%dma_wait3A_110 : memref<128x64xf32, #tpu.memory_space<vmem>>)
      %dma_start3A_117 = arith.constant 1 : i32
      %dma_start3A_118 = arith.constant 0 : i32
      %dma_start3A_119 = arith.constant 0 : i32
      %dma_start3A_120 = tpu.memref_slice %arg8[%dma_start3A_117, %dma_start3A_118, %dma_start3A_119] : memref<2x128x64xf32, #tpu.memory_space<vmem>> -> memref<1x128x64xf32, #tpu.memory_space<vmem>>
      %dma_start3A_121 = tpu.memref_squeeze %dma_start3A_120 : memref<1x128x64xf32, #tpu.memory_space<vmem>> -> memref<128x64xf32, #tpu.memory_space<vmem>>
      %dma_start3A_122 = arith.constant 0 : i32
      %dma_start3A_123 = tpu.memref_slice %arg7[%add3A_105, %dma_start3A_122] : memref<40x128xi32, #tpu.memory_space<vmem>> -> memref<1x128xi32, #tpu.memory_space<vmem>>
      %dma_start3A_124 = tpu.memref_squeeze %dma_start3A_123 : memref<1x128xi32, #tpu.memory_space<vmem>> -> memref<128xi32, #tpu.memory_space<vmem>>
      %dma_start3A_125 = arith.constant 0 : i32
      %dma_start3A_126 = arith.constant 0 : i32
      %dma_start3A_127 = tpu.memref_slice %arg9[%dma_start3A_125, %dma_start3A_126] : memref<10240x64xf32, #tpu.memory_space<vmem_shared>> -> memref<10240x64xf32, #tpu.memory_space<vmem_shared>>
      tpu.enqueue_indirect_dma source(%dma_start3A_121 : memref<128x64xf32, #tpu.memory_space<vmem>>) target(%dma_start3A_127 : memref<10240x64xf32, #tpu.memory_space<vmem_shared>>) offsets(%dma_start3A_124 : memref<128xi32, #tpu.memory_space<vmem>>) semaphore(%arg13 : memref<!tpu.dma_semaphore, #tpu.memory_space<semaphore_mem>>) {add = true}
      %sub3A_128 = arith.constant 1 : i32
      %sub3A_129 = arith.subi %add3A_105, %sub3A_128 : i32
      %dma_wait3A_130 = arith.constant 0 : i32
      %dma_wait3A_131 = arith.constant 0 : i32
      %dma_wait3A_132 = arith.constant 0 : i32
      %dma_wait3A_133 = tpu.memref_slice %arg8[%dma_wait3A_130, %dma_wait3A_131, %dma_wait3A_132] : memref<2x128x64xf32, #tpu.memory_space<vmem>> -> memref<1x128x64xf32, #tpu.memory_space<vmem>>
      %dma_wait3A_134 = tpu.memref_squeeze %dma_wait3A_133 : memref<1x128x64xf32, #tpu.memory_space<vmem>> -> memref<128x64xf32, #tpu.memory_space<vmem>>
      %dma_wait3A_135 = arith.constant 0 : i32
      %dma_wait3A_136 = tpu.memref_slice %arg7[%sub3A_129, %dma_wait3A_135] : memref<40x128xi32, #tpu.memory_space<vmem>> -> memref<1x128xi32, #tpu.memory_space<vmem>>
      %dma_wait3A_137 = tpu.memref_squeeze %dma_wait3A_136 : memref<1x128xi32, #tpu.memory_space<vmem>> -> memref<128xi32, #tpu.memory_space<vmem>>
      %dma_wait3A_138 = arith.constant 0 : i32
      %dma_wait3A_139 = arith.constant 0 : i32
      %dma_wait3A_140 = tpu.memref_slice %arg9[%dma_wait3A_138, %dma_wait3A_139] : memref<10240x64xf32, #tpu.memory_space<vmem_shared>> -> memref<10240x64xf32, #tpu.memory_space<vmem_shared>>
      tpu.wait_indirect_dma semaphore(%arg12 : memref<!tpu.dma_semaphore, #tpu.memory_space<semaphore_mem>>) src(%dma_wait3A_134 : memref<128x64xf32, #tpu.memory_space<vmem>>) dst(%dma_wait3A_140 : memref<10240x64xf32, #tpu.memory_space<vmem_shared>>)
      %add3A_141 = arith.constant 2 : i32
      %add3A_142 = arith.addi %add3A_105, %add3A_141 : i32
      %sub3A_143 = arith.constant 1 : i32
      %sub3A_144 = arith.subi %add3A_142, %sub3A_143 : i32
      %lt3A_145 = arith.constant 40 : i32
      %lt3A_146 = arith.cmpi slt, %sub3A_144, %lt3A_145 : i32
      %convert_element_type3A_147 = arith.extui %lt3A_146 : i1 to i32
      %cond3A_148 = arith.constant 0 : i32
      %cond3A_149 = arith.cmpi ne, %convert_element_type3A_147, %cond3A_148 : i32
      scf.if %cond3A_149 {
        %add3A_151 = arith.constant 2 : i32
        %add3A_152 = arith.addi %add3A_105, %add3A_151 : i32
        %sub3A_153 = arith.constant 1 : i32
        %sub3A_154 = arith.subi %add3A_152, %sub3A_153 : i32
        %dma_start3A_155 = arith.constant 0 : i32
        %dma_start3A_156 = arith.constant 0 : i32
        %dma_start3A_157 = arith.constant 0 : i32
        %dma_start3A_158 = tpu.memref_slice %arg8[%dma_start3A_155, %dma_start3A_156, %dma_start3A_157] : memref<2x128x64xf32, #tpu.memory_space<vmem>> -> memref<1x128x64xf32, #tpu.memory_space<vmem>>
        %dma_start3A_159 = tpu.memref_squeeze %dma_start3A_158 : memref<1x128x64xf32, #tpu.memory_space<vmem>> -> memref<128x64xf32, #tpu.memory_space<vmem>>
        %dma_start3A_160 = arith.constant 0 : i32
        %dma_start3A_161 = tpu.memref_slice %arg6[%sub3A_154, %dma_start3A_160] : memref<40x128xi32, #tpu.memory_space<vmem>> -> memref<1x128xi32, #tpu.memory_space<vmem>>
        %dma_start3A_162 = tpu.memref_squeeze %dma_start3A_161 : memref<1x128xi32, #tpu.memory_space<vmem>> -> memref<128xi32, #tpu.memory_space<vmem>>
        %dma_start3A_163 = arith.constant 0 : i32
        %dma_start3A_164 = arith.constant 0 : i32
        %dma_start3A_165 = tpu.memref_slice %arg2[%dma_start3A_163, %dma_start3A_164] : memref<10000x64xf32, #tpu.memory_space<hbm>> -> memref<10000x64xf32, #tpu.memory_space<hbm>>
        tpu.enqueue_indirect_dma source(%dma_start3A_165 : memref<10000x64xf32, #tpu.memory_space<hbm>>) target(%dma_start3A_159 : memref<128x64xf32, #tpu.memory_space<vmem>>) offsets(%dma_start3A_162 : memref<128xi32, #tpu.memory_space<vmem>>) semaphore(%arg10 : memref<!tpu.dma_semaphore, #tpu.memory_space<semaphore_mem>>)
      } else {
      }
      %scan3A_150 = arith.constant 0 : i32
      scf.yield %scan3A_150 : i32
    }
    %scan3A_48 = arith.constant 20 : i32
    %dma_wait3A = arith.constant 1 : i32
    %dma_wait3A_49 = arith.constant 39 : i32
    %dma_wait3A_50 = arith.constant 0 : i32
    %dma_wait3A_51 = arith.constant 0 : i32
    %dma_wait3A_52 = tpu.memref_slice %arg8[%dma_wait3A, %dma_wait3A_50, %dma_wait3A_51] : memref<2x128x64xf32, #tpu.memory_space<vmem>> -> memref<1x128x64xf32, #tpu.memory_space<vmem>>
    %dma_wait3A_53 = tpu.memref_squeeze %dma_wait3A_52 : memref<1x128x64xf32, #tpu.memory_space<vmem>> -> memref<128x64xf32, #tpu.memory_space<vmem>>
    %dma_wait3A_54 = arith.constant 0 : i32
    %dma_wait3A_55 = tpu.memref_slice %arg7[%dma_wait3A_49, %dma_wait3A_54] : memref<40x128xi32, #tpu.memory_space<vmem>> -> memref<1x128xi32, #tpu.memory_space<vmem>>
    %dma_wait3A_56 = tpu.memref_squeeze %dma_wait3A_55 : memref<1x128xi32, #tpu.memory_space<vmem>> -> memref<128xi32, #tpu.memory_space<vmem>>
    %dma_wait3A_57 = arith.constant 0 : i32
    %dma_wait3A_58 = arith.constant 0 : i32
    %dma_wait3A_59 = tpu.memref_slice %arg9[%dma_wait3A_57, %dma_wait3A_58] : memref<10240x64xf32, #tpu.memory_space<vmem_shared>> -> memref<10240x64xf32, #tpu.memory_space<vmem_shared>>
    tpu.wait_indirect_dma semaphore(%arg13 : memref<!tpu.dma_semaphore, #tpu.memory_space<semaphore_mem>>) src(%dma_wait3A_53 : memref<128x64xf32, #tpu.memory_space<vmem>>) dst(%dma_wait3A_59 : memref<10240x64xf32, #tpu.memory_space<vmem_shared>>)
    %barrier3A_60 = arith.constant 0 : index
    tpu.barrier barrier_id(%barrier3A_60)
    %mul3A_61 = arith.constant 640 : i32
    %mul3A_62 = arith.muli %arg1, %mul3A_61 : i32
    %mul3A_63 = arith.constant 640 : i32
    %mul3A_64 = arith.muli %arg1, %mul3A_63 : i32
    "tpu.region"() ({
      %run_scoped3A_65 = tpu.sem_alloc : memref<!tpu.dma_semaphore, #tpu.memory_space<semaphore_mem>>
      %dma_start3A_66 = arith.constant 0 : i32
      %dma_start3A_67 = tpu.memref_slice %arg5[%arg0, %mul3A_64, %dma_start3A_66] : memref<2x10240x64xf32, #tpu.memory_space<hbm>> -> memref<1x640x64xf32, #tpu.memory_space<hbm>>
      %dma_start3A_68 = tpu.memref_squeeze %dma_start3A_67 : memref<1x640x64xf32, #tpu.memory_space<hbm>> -> memref<640x64xf32, #tpu.memory_space<hbm>>
      %dma_start3A_69 = arith.constant 0 : i32
      %dma_start3A_70 = tpu.memref_slice %arg9[%mul3A_62, %dma_start3A_69] : memref<10240x64xf32, #tpu.memory_space<vmem_shared>> -> memref<640x64xf32, #tpu.memory_space<vmem_shared>>
      tpu.enqueue_dma source(%dma_start3A_70 : memref<640x64xf32, #tpu.memory_space<vmem_shared>>) target(%dma_start3A_68 : memref<640x64xf32, #tpu.memory_space<hbm>>) target_semaphore(%run_scoped3A_65 : memref<!tpu.dma_semaphore, #tpu.memory_space<semaphore_mem>>)
      %dma_wait3A_71 = arith.constant 0 : i32
      %dma_wait3A_72 = tpu.memref_slice %arg5[%arg0, %mul3A_64, %dma_wait3A_71] : memref<2x10240x64xf32, #tpu.memory_space<hbm>> -> memref<1x640x64xf32, #tpu.memory_space<hbm>>
      %dma_wait3A_73 = tpu.memref_squeeze %dma_wait3A_72 : memref<1x640x64xf32, #tpu.memory_space<hbm>> -> memref<640x64xf32, #tpu.memory_space<hbm>>
      %dma_wait3A_74 = arith.constant 0 : i32
      %dma_wait3A_75 = tpu.memref_slice %arg9[%mul3A_62, %dma_wait3A_74] : memref<10240x64xf32, #tpu.memory_space<vmem_shared>> -> memref<640x64xf32, #tpu.memory_space<vmem_shared>>
      tpu.wait_dma2 semaphore(%run_scoped3A_65 : memref<!tpu.dma_semaphore, #tpu.memory_space<semaphore_mem>>) src(%dma_wait3A_75 : memref<640x64xf32, #tpu.memory_space<vmem_shared>>) dst(%dma_wait3A_73 : memref<640x64xf32, #tpu.memory_space<hbm>>)
      tpu.yield
    }) : () -> ()
    return
  }
}

module attributes {stable_mosaic.version = 14 : i64} {
  func.func @body(%arg0: memref<2x10240x128xf32, #tpu.memory_space<vmem>>, %arg1: memref<128x64xf32, #tpu.memory_space<vmem>>, %arg2: memref<1x64xf32, #tpu.memory_space<vmem>>, %arg3: memref<1x64xf32, #tpu.memory_space<vmem>>, %arg4: memref<1x64xf32, #tpu.memory_space<vmem>>, %arg5: memref<10000x64xf32, #tpu.memory_space<vmem>>) attributes {dimension_semantics = [], scalar_prefetch = 0 : i64, scratch_operands = 0 : i64, tpu.core_type = #tpu.core_type<tc>} {
    %get3A = arith.constant 0 : index
    %get3A_0 = arith.constant 0 : index
    %get3A_1 = arith.constant 0 : index
    %get3A_2 = vector.load %arg0[%get3A, %get3A_0, %get3A_1] : memref<2x10240x128xf32, #tpu.memory_space<vmem>>, vector<1x10000x128xf32>
    %get3A_3 = vector.shape_cast %get3A_2 : vector<1x10000x128xf32> to vector<10000x128xf32>
    %get3A_4 = arith.constant 1 : index
    %get3A_5 = arith.constant 0 : index
    %get3A_6 = arith.constant 0 : index
    %get3A_7 = vector.load %arg0[%get3A_4, %get3A_5, %get3A_6] : memref<2x10240x128xf32, #tpu.memory_space<vmem>>, vector<1x10000x128xf32>
    %get3A_8 = vector.shape_cast %get3A_7 : vector<1x10000x128xf32> to vector<10000x128xf32>
    %add3A = arith.addf %get3A_3, %get3A_8 : vector<10000x128xf32>
    %get3A_9 = arith.constant 0 : index
    %get3A_10 = arith.constant 0 : index
    %get3A_11 = vector.load %arg1[%get3A_9, %get3A_10] : memref<128x64xf32, #tpu.memory_space<vmem>>, vector<128x64xf32>
    %dot_general3A = arith.constant dense<0.000000e+00> : vector<10000x64xf32>
    %dot_general3A_12 = tpu.matmul %add3A, %get3A_11, %dot_general3A {dimension_numbers = #tpu.dot_dimension_numbers<[1], [0], [0], [1], [0, 0, 1, 1], [], []>, transpose_lhs_hint = false} : vector<10000x128xf32>, vector<128x64xf32>, vector<10000x64xf32> -> vector<10000x64xf32>
    %get3A_13 = arith.constant 0 : index
    %get3A_14 = arith.constant 0 : index
    %get3A_15 = vector.load %arg2[%get3A_13, %get3A_14] : memref<1x64xf32, #tpu.memory_space<vmem>>, vector<1x64xf32>
    %add3A_16 = vector.broadcast %get3A_15 : vector<1x64xf32> to vector<10000x64xf32>
    %add3A_17 = arith.addf %dot_general3A_12, %add3A_16 : vector<10000x64xf32>
    %tanh3A = math.tanh %add3A_17 : vector<10000x64xf32>
    %reduce_sum3A = arith.constant dense<0.000000e+00> : vector<64xf32>
    %reduce_sum3A_18 = vector.multi_reduction <add>, %tanh3A, %reduce_sum3A [0] : vector<10000x64xf32> to vector<64xf32>
    %broadcast_in_dim3A = vector.shape_cast %reduce_sum3A_18 : vector<64xf32> to vector<1x64xf32>
    %div3A = arith.constant 1.000000e+04 : f32
    %div3A_19 = vector.broadcast %div3A : f32 to vector<1x64xf32>
    %div3A_20 = arith.divf %broadcast_in_dim3A, %div3A_19 : vector<1x64xf32>
    %sub3A = vector.broadcast %div3A_20 : vector<1x64xf32> to vector<10000x64xf32>
    %sub3A_21 = arith.subf %tanh3A, %sub3A : vector<10000x64xf32>
    %integer_pow3A = arith.mulf %sub3A_21, %sub3A_21 : vector<10000x64xf32>
    %reduce_sum3A_22 = arith.constant dense<0.000000e+00> : vector<64xf32>
    %reduce_sum3A_23 = vector.multi_reduction <add>, %integer_pow3A, %reduce_sum3A_22 [0] : vector<10000x64xf32> to vector<64xf32>
    %broadcast_in_dim3A_24 = vector.shape_cast %reduce_sum3A_23 : vector<64xf32> to vector<1x64xf32>
    %div3A_25 = arith.constant 1.000000e+04 : f32
    %div3A_26 = vector.broadcast %div3A_25 : f32 to vector<1x64xf32>
    %div3A_27 = arith.divf %broadcast_in_dim3A_24, %div3A_26 : vector<1x64xf32>
    %sub3A_28 = vector.broadcast %div3A_20 : vector<1x64xf32> to vector<10000x64xf32>
    %sub3A_29 = arith.subf %tanh3A, %sub3A_28 : vector<10000x64xf32>
    %add3A_30 = arith.constant 9.99999974E-6 : f32
    %add3A_31 = vector.broadcast %add3A_30 : f32 to vector<1x64xf32>
    %add3A_32 = arith.addf %div3A_27, %add3A_31 : vector<1x64xf32>
    %sqrt3A = math.sqrt %add3A_32 : vector<1x64xf32>
    %div3A_33 = vector.broadcast %sqrt3A : vector<1x64xf32> to vector<10000x64xf32>
    %div3A_34 = arith.divf %sub3A_29, %div3A_33 : vector<10000x64xf32>
    %get3A_35 = arith.constant 0 : index
    %get3A_36 = arith.constant 0 : index
    %get3A_37 = vector.load %arg3[%get3A_35, %get3A_36] : memref<1x64xf32, #tpu.memory_space<vmem>>, vector<1x64xf32>
    %mul3A = vector.broadcast %get3A_37 : vector<1x64xf32> to vector<10000x64xf32>
    %mul3A_38 = arith.mulf %div3A_34, %mul3A : vector<10000x64xf32>
    %get3A_39 = arith.constant 0 : index
    %get3A_40 = arith.constant 0 : index
    %get3A_41 = vector.load %arg4[%get3A_39, %get3A_40] : memref<1x64xf32, #tpu.memory_space<vmem>>, vector<1x64xf32>
    %add3A_42 = vector.broadcast %get3A_41 : vector<1x64xf32> to vector<10000x64xf32>
    %add3A_43 = arith.addf %mul3A_38, %add3A_42 : vector<10000x64xf32>
    %swap3A = arith.constant 0 : index
    %swap3A_44 = arith.constant 0 : index
    %swap3A_45 = vector.load %arg5[%swap3A, %swap3A_44] : memref<10000x64xf32, #tpu.memory_space<vmem>>, vector<10000x64xf32>
    tpu.vector_store %arg5[%swap3A, %swap3A_44], %add3A_43 {strides = array<i32>} : memref<10000x64xf32, #tpu.memory_space<vmem>>, vector<10000x64xf32>,
    return
  }
}

module attributes {stable_mosaic.version = 14 : i64} {
  func.func @body(%arg0: memref<2x10240x64xf32, #tpu.memory_space<vmem>>, %arg1: memref<64x16xf32, #tpu.memory_space<vmem>>, %arg2: memref<1x16xf32, #tpu.memory_space<vmem>>, %arg3: memref<1x16xf32, #tpu.memory_space<vmem>>, %arg4: memref<1x16xf32, #tpu.memory_space<vmem>>, %arg5: memref<10000x16xf32, #tpu.memory_space<vmem>>) attributes {dimension_semantics = [], scalar_prefetch = 0 : i64, scratch_operands = 0 : i64, tpu.core_type = #tpu.core_type<tc>} {
    %get3A = arith.constant 0 : index
    %get3A_0 = arith.constant 0 : index
    %get3A_1 = arith.constant 0 : index
    %get3A_2 = vector.load %arg0[%get3A, %get3A_0, %get3A_1] : memref<2x10240x64xf32, #tpu.memory_space<vmem>>, vector<1x10000x64xf32>
    %get3A_3 = vector.shape_cast %get3A_2 : vector<1x10000x64xf32> to vector<10000x64xf32>
    %get3A_4 = arith.constant 1 : index
    %get3A_5 = arith.constant 0 : index
    %get3A_6 = arith.constant 0 : index
    %get3A_7 = vector.load %arg0[%get3A_4, %get3A_5, %get3A_6] : memref<2x10240x64xf32, #tpu.memory_space<vmem>>, vector<1x10000x64xf32>
    %get3A_8 = vector.shape_cast %get3A_7 : vector<1x10000x64xf32> to vector<10000x64xf32>
    %add3A = arith.addf %get3A_3, %get3A_8 : vector<10000x64xf32>
    %get3A_9 = arith.constant 0 : index
    %get3A_10 = arith.constant 0 : index
    %get3A_11 = vector.load %arg1[%get3A_9, %get3A_10] : memref<64x16xf32, #tpu.memory_space<vmem>>, vector<64x16xf32>
    %dot_general3A = arith.constant dense<0.000000e+00> : vector<10000x16xf32>
    %dot_general3A_12 = tpu.matmul %add3A, %get3A_11, %dot_general3A {dimension_numbers = #tpu.dot_dimension_numbers<[1], [0], [0], [1], [0, 0, 1, 1], [], []>, transpose_lhs_hint = false} : vector<10000x64xf32>, vector<64x16xf32>, vector<10000x16xf32> -> vector<10000x16xf32>
    %get3A_13 = arith.constant 0 : index
    %get3A_14 = arith.constant 0 : index
    %get3A_15 = vector.load %arg2[%get3A_13, %get3A_14] : memref<1x16xf32, #tpu.memory_space<vmem>>, vector<1x16xf32>
    %add3A_16 = vector.broadcast %get3A_15 : vector<1x16xf32> to vector<10000x16xf32>
    %add3A_17 = arith.addf %dot_general3A_12, %add3A_16 : vector<10000x16xf32>
    %tanh3A = math.tanh %add3A_17 : vector<10000x16xf32>
    %reduce_sum3A = arith.constant dense<0.000000e+00> : vector<16xf32>
    %reduce_sum3A_18 = vector.multi_reduction <add>, %tanh3A, %reduce_sum3A [0] : vector<10000x16xf32> to vector<16xf32>
    %broadcast_in_dim3A = vector.shape_cast %reduce_sum3A_18 : vector<16xf32> to vector<1x16xf32>
    %div3A = arith.constant 1.000000e+04 : f32
    %div3A_19 = vector.broadcast %div3A : f32 to vector<1x16xf32>
    %div3A_20 = arith.divf %broadcast_in_dim3A, %div3A_19 : vector<1x16xf32>
    %sub3A = vector.broadcast %div3A_20 : vector<1x16xf32> to vector<10000x16xf32>
    %sub3A_21 = arith.subf %tanh3A, %sub3A : vector<10000x16xf32>
    %integer_pow3A = arith.mulf %sub3A_21, %sub3A_21 : vector<10000x16xf32>
    %reduce_sum3A_22 = arith.constant dense<0.000000e+00> : vector<16xf32>
    %reduce_sum3A_23 = vector.multi_reduction <add>, %integer_pow3A, %reduce_sum3A_22 [0] : vector<10000x16xf32> to vector<16xf32>
    %broadcast_in_dim3A_24 = vector.shape_cast %reduce_sum3A_23 : vector<16xf32> to vector<1x16xf32>
    %div3A_25 = arith.constant 1.000000e+04 : f32
    %div3A_26 = vector.broadcast %div3A_25 : f32 to vector<1x16xf32>
    %div3A_27 = arith.divf %broadcast_in_dim3A_24, %div3A_26 : vector<1x16xf32>
    %sub3A_28 = vector.broadcast %div3A_20 : vector<1x16xf32> to vector<10000x16xf32>
    %sub3A_29 = arith.subf %tanh3A, %sub3A_28 : vector<10000x16xf32>
    %add3A_30 = arith.constant 9.99999974E-6 : f32
    %add3A_31 = vector.broadcast %add3A_30 : f32 to vector<1x16xf32>
    %add3A_32 = arith.addf %div3A_27, %add3A_31 : vector<1x16xf32>
    %sqrt3A = math.sqrt %add3A_32 : vector<1x16xf32>
    %div3A_33 = vector.broadcast %sqrt3A : vector<1x16xf32> to vector<10000x16xf32>
    %div3A_34 = arith.divf %sub3A_29, %div3A_33 : vector<10000x16xf32>
    %get3A_35 = arith.constant 0 : index
    %get3A_36 = arith.constant 0 : index
    %get3A_37 = vector.load %arg3[%get3A_35, %get3A_36] : memref<1x16xf32, #tpu.memory_space<vmem>>, vector<1x16xf32>
    %mul3A = vector.broadcast %get3A_37 : vector<1x16xf32> to vector<10000x16xf32>
    %mul3A_38 = arith.mulf %div3A_34, %mul3A : vector<10000x16xf32>
    %get3A_39 = arith.constant 0 : index
    %get3A_40 = arith.constant 0 : index
    %get3A_41 = vector.load %arg4[%get3A_39, %get3A_40] : memref<1x16xf32, #tpu.memory_space<vmem>>, vector<1x16xf32>
    %add3A_42 = vector.broadcast %get3A_41 : vector<1x16xf32> to vector<10000x16xf32>
    %add3A_43 = arith.addf %mul3A_38, %add3A_42 : vector<10000x16xf32>
    %swap3A = arith.constant 0 : index
    %swap3A_44 = arith.constant 0 : index
    %swap3A_45 = vector.load %arg5[%swap3A, %swap3A_44] : memref<10000x16xf32, #tpu.memory_space<vmem>>, vector<10000x16xf32>
    tpu.vector_store %arg5[%swap3A, %swap3A_44], %add3A_43 {strides = array<i32>} : memref<10000x16xf32, #tpu.memory_space<vmem>>, vector<10000x16xf32>,
    return
  }
}

module attributes {stable_mosaic.version = 14 : i64} {
  func.func @_dstats_body(%arg0: i32, %arg1: memref<400x16xf32, #tpu.memory_space<vmem>>, %arg2: memref<10000x16xf32, #tpu.memory_space<vmem>>, %arg3: memref<2x10000xf32, #tpu.memory_space<vmem>>) attributes {dimension_semantics = [#tpu.dimension_semantics<arbitrary>], iteration_bounds = array<i64: 25>, scalar_prefetch = 0 : i64, scratch_operands = 0 : i64, tpu.core_type = #tpu.core_type<tc>, window_params = [{transform_indices = @transform_0, window_bounds = array<i64: 400, 16>}, {pipeline_mode = #tpu.pipeline_mode<synchronous>, transform_indices = @transform_1, window_bounds = array<i64: 10000, 16>}, {pipeline_mode = #tpu.pipeline_mode<synchronous>, transform_indices = @transform_2, window_bounds = array<i64: 2, 10000>}]} {
    %get3A = arith.constant 0 : index
    %get3A_0 = arith.constant 0 : index
    %get3A_1 = vector.load %arg1[%get3A, %get3A_0] : memref<400x16xf32, #tpu.memory_space<vmem>>, vector<400x16xf32>
    %get3A_2 = arith.constant 0 : index
    %get3A_3 = arith.constant 0 : index
    %get3A_4 = vector.load %arg2[%get3A_2, %get3A_3] : memref<10000x16xf32, #tpu.memory_space<vmem>>, vector<10000x16xf32>
    %dot_general3A = arith.constant dense<0.000000e+00> : vector<400x10000xf32>
    %dot_general3A_5 = tpu.matmul %get3A_1, %get3A_4, %dot_general3A {dimension_numbers = #tpu.dot_dimension_numbers<[1], [1], [0], [0], [0, 0, 1, 0], [], []>, transpose_lhs_hint = false} : vector<400x16xf32>, vector<10000x16xf32>, vector<400x10000xf32> -> vector<400x10000xf32>
    %mul3A = arith.constant 5.000000e-01 : f32
    %mul3A_6 = vector.broadcast %mul3A : f32 to vector<400x10000xf32>
    %mul3A_7 = arith.mulf %mul3A_6, %dot_general3A_5 : vector<400x10000xf32>
    %tanh3A = math.tanh %mul3A_7 : vector<400x10000xf32>
    %mul3A_8 = arith.constant 5.000000e-01 : f32
    %mul3A_9 = vector.broadcast %mul3A_8 : f32 to vector<400x10000xf32>
    %mul3A_10 = arith.mulf %mul3A_9, %tanh3A : vector<400x10000xf32>
    %add3A = arith.constant 5.000000e-01 : f32
    %add3A_11 = vector.broadcast %add3A : f32 to vector<400x10000xf32>
    %add3A_12 = arith.addf %mul3A_10, %add3A_11 : vector<400x10000xf32>
    %eq3A = arith.constant 0 : i32
    %eq3A_13 = arith.cmpi eq, %arg0, %eq3A : i32
    %convert_element_type3A = arith.extui %eq3A_13 : i1 to i32
    %cond3A = arith.constant 0 : i32
    %cond3A_14 = arith.cmpi ne, %convert_element_type3A, %cond3A : i32
    scf.if %cond3A_14 {
      %broadcast_in_dim3A_33 = arith.constant 0.000000e+00 : f32
      %broadcast_in_dim3A_34 = vector.broadcast %broadcast_in_dim3A_33 : f32 to vector<2x10000xf32>
      %swap3A_35 = arith.constant 0 : index
      %swap3A_36 = arith.constant 0 : index
      %swap3A_37 = vector.load %arg3[%swap3A_35, %swap3A_36] : memref<2x10000xf32, #tpu.memory_space<vmem>>, vector<2x10000xf32>
      tpu.vector_store %arg3[%swap3A_35, %swap3A_36], %broadcast_in_dim3A_34 {strides = array<i32>} : memref<2x10000xf32, #tpu.memory_space<vmem>>, vector<2x10000xf32>,
    } else {
    }
    %get3A_15 = arith.constant 0 : index
    %get3A_16 = arith.constant 0 : index
    %get3A_17 = vector.load %arg3[%get3A_15, %get3A_16] : memref<2x10000xf32, #tpu.memory_space<vmem>>, vector<1x10000xf32>
    %reduce_sum3A = arith.constant dense<0.000000e+00> : vector<10000xf32>
    %reduce_sum3A_18 = vector.multi_reduction <add>, %add3A_12, %reduce_sum3A [0] : vector<400x10000xf32> to vector<10000xf32>
    %broadcast_in_dim3A = vector.shape_cast %reduce_sum3A_18 : vector<10000xf32> to vector<1x10000xf32>
    %add3A_19 = arith.addf %get3A_17, %broadcast_in_dim3A : vector<1x10000xf32>
    %swap3A = arith.constant 0 : index
    %swap3A_20 = arith.constant 0 : index
    %swap3A_21 = vector.load %arg3[%swap3A, %swap3A_20] : memref<2x10000xf32, #tpu.memory_space<vmem>>, vector<1x10000xf32>
    tpu.vector_store %arg3[%swap3A, %swap3A_20], %add3A_19 {strides = array<i32>} : memref<2x10000xf32, #tpu.memory_space<vmem>>, vector<1x10000xf32>,
    %get3A_22 = arith.constant 1 : index
    %get3A_23 = arith.constant 0 : index
    %get3A_24 = vector.load %arg3[%get3A_22, %get3A_23] : memref<2x10000xf32, #tpu.memory_space<vmem>>, vector<1x10000xf32>
    %mul3A_25 = arith.mulf %add3A_12, %add3A_12 : vector<400x10000xf32>
    %reduce_sum3A_26 = arith.constant dense<0.000000e+00> : vector<10000xf32>
    %reduce_sum3A_27 = vector.multi_reduction <add>, %mul3A_25, %reduce_sum3A_26 [0] : vector<400x10000xf32> to vector<10000xf32>
    %broadcast_in_dim3A_28 = vector.shape_cast %reduce_sum3A_27 : vector<10000xf32> to vector<1x10000xf32>
    %add3A_29 = arith.addf %get3A_24, %broadcast_in_dim3A_28 : vector<1x10000xf32>
    %swap3A_30 = arith.constant 1 : index
    %swap3A_31 = arith.constant 0 : index
    %swap3A_32 = vector.load %arg3[%swap3A_30, %swap3A_31] : memref<2x10000xf32, #tpu.memory_space<vmem>>, vector<1x10000xf32>
    tpu.vector_store %arg3[%swap3A_30, %swap3A_31], %add3A_29 {strides = array<i32>} : memref<2x10000xf32, #tpu.memory_space<vmem>>, vector<1x10000xf32>,
    return
  }
  func.func @transform_0(%arg0: i32) -> (i32, i32) {
    %c0_i32 = arith.constant 0 : i32
    %c0_i32_0 = arith.constant 0 : i32
    return %arg0, %c0_i32 : i32, i32
  }
  func.func @transform_1(%arg0: i32) -> (i32, i32) {
    %c0_i32 = arith.constant 0 : i32
    %c0_i32_0 = arith.constant 0 : i32
    %c0_i32_1 = arith.constant 0 : i32
    return %c0_i32, %c0_i32_0 : i32, i32
  }
  func.func @transform_2(%arg0: i32) -> (i32, i32) {
    %c0_i32 = arith.constant 0 : i32
    %c0_i32_0 = arith.constant 0 : i32
    %c0_i32_1 = arith.constant 0 : i32
    return %c0_i32, %c0_i32_0 : i32, i32
  }
}

module attributes {stable_mosaic.version = 14 : i64} {
  func.func @_dnorm_body(%arg0: i32, %arg1: memref<400x16xf32, #tpu.memory_space<vmem>>, %arg2: memref<10000x16xf32, #tpu.memory_space<vmem>>, %arg3: memref<2x10000xf32, #tpu.memory_space<vmem>>, %arg4: memref<1x10000xf32, #tpu.memory_space<vmem>>, %arg5: memref<1x10000xf32, #tpu.memory_space<vmem>>, %arg6: memref<400x10000xf32, #tpu.memory_space<vmem>>) attributes {dimension_semantics = [#tpu.dimension_semantics<arbitrary>], iteration_bounds = array<i64: 25>, scalar_prefetch = 0 : i64, scratch_operands = 0 : i64, tpu.core_type = #tpu.core_type<tc>, window_params = [{transform_indices = @transform_0, window_bounds = array<i64: 400, 16>}, {pipeline_mode = #tpu.pipeline_mode<synchronous>, transform_indices = @transform_1, window_bounds = array<i64: 10000, 16>}, {pipeline_mode = #tpu.pipeline_mode<synchronous>, transform_indices = @transform_2, window_bounds = array<i64: 2, 10000>}, {pipeline_mode = #tpu.pipeline_mode<synchronous>, transform_indices = @transform_3, window_bounds = array<i64: 1, 10000>}, {pipeline_mode = #tpu.pipeline_mode<synchronous>, transform_indices = @transform_4, window_bounds = array<i64: 1, 10000>}, {transform_indices = @transform_5, window_bounds = array<i64: 400, 10000>}]} {
    %get3A = arith.constant 0 : index
    %get3A_0 = arith.constant 0 : index
    %get3A_1 = vector.load %arg1[%get3A, %get3A_0] : memref<400x16xf32, #tpu.memory_space<vmem>>, vector<400x16xf32>
    %get3A_2 = arith.constant 0 : index
    %get3A_3 = arith.constant 0 : index
    %get3A_4 = vector.load %arg2[%get3A_2, %get3A_3] : memref<10000x16xf32, #tpu.memory_space<vmem>>, vector<10000x16xf32>
    %dot_general3A = arith.constant dense<0.000000e+00> : vector<400x10000xf32>
    %dot_general3A_5 = tpu.matmul %get3A_1, %get3A_4, %dot_general3A {dimension_numbers = #tpu.dot_dimension_numbers<[1], [1], [0], [0], [0, 0, 1, 0], [], []>, transpose_lhs_hint = false} : vector<400x16xf32>, vector<10000x16xf32>, vector<400x10000xf32> -> vector<400x10000xf32>
    %mul3A = arith.constant 5.000000e-01 : f32
    %mul3A_6 = vector.broadcast %mul3A : f32 to vector<400x10000xf32>
    %mul3A_7 = arith.mulf %mul3A_6, %dot_general3A_5 : vector<400x10000xf32>
    %tanh3A = math.tanh %mul3A_7 : vector<400x10000xf32>
    %mul3A_8 = arith.constant 5.000000e-01 : f32
    %mul3A_9 = vector.broadcast %mul3A_8 : f32 to vector<400x10000xf32>
    %mul3A_10 = arith.mulf %mul3A_9, %tanh3A : vector<400x10000xf32>
    %add3A = arith.constant 5.000000e-01 : f32
    %add3A_11 = vector.broadcast %add3A : f32 to vector<400x10000xf32>
    %add3A_12 = arith.addf %mul3A_10, %add3A_11 : vector<400x10000xf32>
    %get3A_13 = arith.constant 0 : index
    %get3A_14 = arith.constant 0 : index
    %get3A_15 = vector.load %arg3[%get3A_13, %get3A_14] : memref<2x10000xf32, #tpu.memory_space<vmem>>, vector<1x10000xf32>
    %mul3A_16 = arith.constant 9.99999974E-5 : f32
    %mul3A_17 = vector.broadcast %mul3A_16 : f32 to vector<1x10000xf32>
    %mul3A_18 = arith.mulf %get3A_15, %mul3A_17 : vector<1x10000xf32>
    %get3A_19 = arith.constant 1 : index
    %get3A_20 = arith.constant 0 : index
    %get3A_21 = vector.load %arg3[%get3A_19, %get3A_20] : memref<2x10000xf32, #tpu.memory_space<vmem>>, vector<1x10000xf32>
    %mul3A_22 = arith.constant 9.99999974E-5 : f32
    %mul3A_23 = vector.broadcast %mul3A_22 : f32 to vector<1x10000xf32>
    %mul3A_24 = arith.mulf %get3A_21, %mul3A_23 : vector<1x10000xf32>
    %mul3A_25 = arith.mulf %mul3A_18, %mul3A_18 : vector<1x10000xf32>
    %sub3A = arith.subf %mul3A_24, %mul3A_25 : vector<1x10000xf32>
    %sub3A_26 = vector.broadcast %mul3A_18 : vector<1x10000xf32> to vector<400x10000xf32>
    %sub3A_27 = arith.subf %add3A_12, %sub3A_26 : vector<400x10000xf32>
    %add3A_28 = arith.constant 9.99999974E-6 : f32
    %add3A_29 = vector.broadcast %add3A_28 : f32 to vector<1x10000xf32>
    %add3A_30 = arith.addf %sub3A, %add3A_29 : vector<1x10000xf32>
    %sqrt3A = math.sqrt %add3A_30 : vector<1x10000xf32>
    %div3A = vector.broadcast %sqrt3A : vector<1x10000xf32> to vector<400x10000xf32>
    %div3A_31 = arith.divf %sub3A_27, %div3A : vector<400x10000xf32>
    %get3A_32 = arith.constant 0 : index
    %get3A_33 = arith.constant 0 : index
    %get3A_34 = vector.load %arg4[%get3A_32, %get3A_33] : memref<1x10000xf32, #tpu.memory_space<vmem>>, vector<1x10000xf32>
    %mul3A_35 = vector.broadcast %get3A_34 : vector<1x10000xf32> to vector<400x10000xf32>
    %mul3A_36 = arith.mulf %div3A_31, %mul3A_35 : vector<400x10000xf32>
    %get3A_37 = arith.constant 0 : index
    %get3A_38 = arith.constant 0 : index
    %get3A_39 = vector.load %arg5[%get3A_37, %get3A_38] : memref<1x10000xf32, #tpu.memory_space<vmem>>, vector<1x10000xf32>
    %add3A_40 = vector.broadcast %get3A_39 : vector<1x10000xf32> to vector<400x10000xf32>
    %add3A_41 = arith.addf %mul3A_36, %add3A_40 : vector<400x10000xf32>
    %swap3A = arith.constant 0 : index
    %swap3A_42 = arith.constant 0 : index
    %swap3A_43 = vector.load %arg6[%swap3A, %swap3A_42] : memref<400x10000xf32, #tpu.memory_space<vmem>>, vector<400x10000xf32>
    tpu.vector_store %arg6[%swap3A, %swap3A_42], %add3A_41 {strides = array<i32>} : memref<400x10000xf32, #tpu.memory_space<vmem>>, vector<400x10000xf32>,
    return
  }
  func.func @transform_0(%arg0: i32) -> (i32, i32) {
    %c0_i32 = arith.constant 0 : i32
    %c0_i32_0 = arith.constant 0 : i32
    return %arg0, %c0_i32 : i32, i32
  }
  func.func @transform_1(%arg0: i32) -> (i32, i32) {
    %c0_i32 = arith.constant 0 : i32
    %c0_i32_0 = arith.constant 0 : i32
    %c0_i32_1 = arith.constant 0 : i32
    return %c0_i32, %c0_i32_0 : i32, i32
  }
  func.func @transform_2(%arg0: i32) -> (i32, i32) {
    %c0_i32 = arith.constant 0 : i32
    %c0_i32_0 = arith.constant 0 : i32
    %c0_i32_1 = arith.constant 0 : i32
    return %c0_i32, %c0_i32_0 : i32, i32
  }
  func.func @transform_3(%arg0: i32) -> (i32, i32) {
    %c0_i32 = arith.constant 0 : i32
    %c0_i32_0 = arith.constant 0 : i32
    %c0_i32_1 = arith.constant 0 : i32
    return %c0_i32, %c0_i32_0 : i32, i32
  }
  func.func @transform_4(%arg0: i32) -> (i32, i32) {
    %c0_i32 = arith.constant 0 : i32
    %c0_i32_0 = arith.constant 0 : i32
    %c0_i32_1 = arith.constant 0 : i32
    return %c0_i32, %c0_i32_0 : i32, i32
  }
  func.func @transform_5(%arg0: i32) -> (i32, i32) {
    %c0_i32 = arith.constant 0 : i32
    %c0_i32_0 = arith.constant 0 : i32
    return %arg0, %c0_i32 : i32, i32
  }
}

</mosaic_0001>

<sc_bundles>
// kernel: kernel.11.cloned.1.call-start
scs
__scs_entry_jumppad:
0x0: {  	(pc) =	sbr.rel $0x88, $3  }
0x1: {  	(tag) =	ssettag $0x0;
	lr =	simm.s32 $0x1  }
0x2: {  	[smem:$0x3F95] =	sst lr;
	_ =	strace $0xD0000000  }
0x3: {  	_ = 	snop  }
0x4: {  	_ = 	snop  }
0x5: {  	_ = 	snop  }
0x6: {  	_ = 	snop  }
0x7: {  	_ = 	snop  }
__scs_overlays_trampoline_lowered:
0x8: {  	[smem:$0x3FA4] =	sst s0  }
0x9: {  	[smem:$0x3FA5] =	sst s1  }
0xa: {  	[smem:$0x3FA6] =	sst s2  }
0xb: {  	[smem:$0x3FA7] =	sst s3  }
0xc: {  	[smem:$0x3FA8] =	sst s4  }
0xd: {  	[smem:$0x3FA9] =	sst s5  }
0xe: {  	[smem:$0x3FAA] =	sst s6  }
0xf: {  	[smem:$0x3FAB] =	sst s7  }
0x10: {  	[smem:$0x3FAC] =	sst s8  }
0x11: {  	[smem:$0x3FAD] =	sst s9;
	s0 =	simm.s32 @!p0 $0x0  }
0x12: {  	s1 =	sld [smem:$0x3F93];
	s0 =	simm.s32 @p0 $0x1  }
0x13: {  	[smem:$0x3FAE] =	sst s0;
	s0 =	simm.s32 @!p1 $0x0  }
0x14: {  	s2 =	sld [smem:$0x3F92];
	s0 =	simm.s32 @p1 $0x1  }
0x15: {  	[smem:$0x3FAF] =	sst s0;
	s0 =	simm.s32 @!p2 $0x0  }
0x16: {  	s3 =	sld [smem:$0x3FDB];
	s0 =	simm.s32 @p2 $0x1  }
0x17: {  	s4 =	simm.s32 $0x1BF5;
	[smem:$0x3FB1] =	sst s0  }
0x18: {  	s0 =	sld [smem:$0x3F94];
	_ =	swait.ge [sflag:s4], $0x0  }
0x19: {  	s7 =	sld [smem:$0x3F95]  }
0x1a: {  	s8 =	sadd.s32 $0xFFFFE003, lr  }
0x1b: {  	s9 =	sadd.s32 $0xFFFFFEF7, lr;
	s5 =	simm.s32 $0xFFFFFFFF;
	p2 =	slt.u32 s8, $0xFFFFF086  }
0x1c: {  	p1 =	slt.u32 s9, $0xF7A;
	s5 =	simm.s32 @!p2 $0x0  }
0x1d: {  	s5 =	simm.s32 @p1 $0x1;
	p0 =	seq.s32 s7, s2  }
0x1e: {  	s7 =	smul.u32 @!p0 $0xF7A, s2;
	p2 =	seq.s32 @!p0 s5, $0x0  }
0x1f: {  	s9 =	smul.u32 $0xF7A, s1;
	s8 =	simm.s32 @!p0 $0x1BF5;
	p2 =	por !p2, p0  }
0x20: {  	[sflag:s8] =	ssyncset.s32 @!p0 $0xFFFFF086;
	s6 =	sadd.s32 @!p0 s3, s7;
	s7 =	simm.s32 @!p0 $0x108  }
0x21: {  	s3 =	sadd.s32 s3, s9;
	s6 =	sadd.s32 @!p0 $0x88, s6;
	s7 =	simm.s32 @p2 $0x1082  }
0x22: {  	[simem:s7], [sflag:s8] =	dma.local @!p0 [hbm:s6], $0xF7A  }
0x23: {  	s9 =	sor.u32 $0xD0000000, s2;
	s6 =	simm.s32 $0x108;
	_ =	swait.ge @!p0 [sflag:s8], $0x0  }
0x24: {  	s3 =	sadd.s32 $0x88, s3;
	s6 =	simm.s32 @!p1 $0x1082;
	[sflag:s4] =	ssyncset.s32 $0xFFFFF086  }
0x25: {  	[simem:s6], [sflag:s4] =	dma.local [hbm:s3], $0xF7A  }
0x26: {  	[smem:$0x3F95] =	sst s1;
	(tag) =	ssettag s2;
	_ =	strace s9  }
0x27: {  	s1 =	sld [smem:$0x3FA5]  }
0x28: {  	s2 =	sld [smem:$0x3FA6]  }
0x29: {  	s4 =	sld [smem:$0x3FA8]  }
0x2a: {  	p0 =	seq.s32 s5, $0x0;
	s5 =	sld [smem:$0x3FA9]  }
0x2b: {  	s6 =	sld [smem:$0x3FAA]  }
0x2c: {  	s7 =	sld [smem:$0x3FAB]  }
0x2d: {  	s3 =	simm.s32 $0x108;
	s8 =	sld [smem:$0x3FAC]  }
0x2e: {  	s3 =	simm.s32 @!p0 $0x1082;
	s9 =	sld [smem:$0x3FAD]  }
0x2f: {  	lr =	sadd.s32 s0, s3;
	s0 =	sld [smem:$0x3FA4]  }
0x30: {  	s3 =	sld [smem:$0x3FA7]  }
0x31: {  	[smem:$0x3FB0] =	sst s10  }
0x32: {  	s10 =	sld [smem:$0x3FAE];
	_ =	sdelay $0x3  }
0x33: {  	p0 =	seq.s32 s10, $0x1;
	s10 =	sld [smem:$0x3FB0];
	_ =	sdelay $0x3  }
0x34: {  	[smem:$0x3FB0] =	sst s10  }
0x35: {  	s10 =	sld [smem:$0x3FAF];
	_ =	sdelay $0x3  }
0x36: {  	p1 =	seq.s32 s10, $0x1;
	s10 =	sld [smem:$0x3FB0];
	_ =	sdelay $0x3  }
0x37: {  	[smem:$0x3FB0] =	sst s10  }
0x38: {  	s10 =	sld [smem:$0x3FB1]  }
0x39: {  	_ = 	snop;
	(pc) =	sbr.ind lr, $3  }
0x3a: {  	_ = 	snop  }
0x3b: {  	_ = 	snop  }
0x3c: {  	p2 =	seq.s32 s10, $0x1;
	s10 =	sld [smem:$0x3FB0]  }
0x3d: {  	_ =	shalt  }
0x3e: {  	_ =	shalt  }
0x3f: {  	_ =	shalt  }
0x40: {  	_ =	shalt  }
0x41: {  	_ =	shalt  }
0x42: {  	_ =	shalt  }
0x43: {  	_ =	shalt  }
0x44: {  	_ =	shalt  }
0x45: {  	_ =	shalt  }
0x46: {  	_ =	shalt  }
0x47: {  	_ =	shalt  }
0x48: {  	_ =	shalt  }
0x49: {  	_ =	shalt  }
0x4a: {  	_ =	shalt  }
0x4b: {  	_ =	shalt  }
0x4c: {  	_ =	shalt  }
0x4d: {  	_ =	shalt  }
0x4e: {  	_ =	shalt  }
0x4f: {  	_ =	shalt  }
0x50: {  	_ =	shalt  }
0x51: {  	_ =	shalt  }
0x52: {  	_ =	shalt  }
0x53: {  	_ =	shalt  }
0x54: {  	_ =	shalt  }
0x55: {  	_ =	shalt  }
0x56: {  	_ =	shalt  }
0x57: {  	_ =	shalt  }
0x58: {  	_ =	shalt  }
0x59: {  	_ =	shalt  }
0x5a: {  	_ =	shalt  }
0x5b: {  	_ =	shalt  }
0x5c: {  	_ =	shalt  }
0x5d: {  	_ =	shalt  }
0x5e: {  	_ =	shalt  }
0x5f: {  	_ =	shalt  }
0x60: {  	_ =	shalt  }
0x61: {  	_ =	shalt  }
0x62: {  	_ =	shalt  }
0x63: {  	_ =	shalt  }
0x64: {  	_ =	shalt  }
0x65: {  	_ =	shalt  }
0x66: {  	_ =	shalt  }
0x67: {  	_ =	shalt  }
0x68: {  	_ =	shalt  }
0x69: {  	_ =	shalt  }
0x6a: {  	_ =	shalt  }
0x6b: {  	_ =	shalt  }
0x6c: {  	_ =	shalt  }
0x6d: {  	_ =	shalt  }
0x6e: {  	_ =	shalt  }
0x6f: {  	_ =	shalt  }
0x70: {  	_ =	shalt  }
0x71: {  	_ =	shalt  }
0x72: {  	_ =	shalt  }
0x73: {  	_ =	shalt  }
0x74: {  	_ =	shalt  }
0x75: {  	_ =	shalt  }
0x76: {  	_ =	shalt  }
0x77: {  	_ =	shalt  }
0x78: {  	_ =	shalt  }
0x79: {  	_ =	shalt  }
0x7a: {  	_ =	shalt  }
0x7b: {  	_ =	shalt  }
0x7c: {  	_ =	shalt  }
0x7d: {  	_ =	shalt  }
0x7e: {  	_ =	shalt  }
0x7f: {  	_ =	shalt  }
0x80: {  	_ =	shalt  }
0x81: {  	_ =	shalt  }
0x82: {  	_ =	shalt  }
0x83: {  	_ =	shalt  }
0x84: {  	_ =	shalt  }
0x85: {  	_ =	shalt  }
0x86: {  	_ =	shalt  }
0x87: {  	_ =	shalt  }
.Lfunc_end0:
.L_simem_size_0:
called_computation.1_lowered:
.L_overlay_start_0:
0x88: {  	s2 =	sld [smem:$0x3FD9]  }
0x89: {  	s3 =	sld [smem:$0x3FFE];
	_ =	sdelay $0x1  }
0x8a: {  	s1 =	srdreg.scid  }
0x8b: {  	s0 =	sand.u32 $0x1, s1  }
0x8c: {  	s14 =	sshll.u32 s0, $0xA;
	s2 =	sadd.s32 s3, s2  }
0x8d: {  	s2 =	sadd.s32 s2, s14  }
0x8e: {  	[smem:$0x3FBC] =	sst s2  }
0x8f: {  	_ = 	snop  }
0x90: {  	s2 =	sld [smem:$0x3FD0];
	_ =	sdelay $0x2  }
0x91: {  	s15 =	simm.s32 $0xA;
	s4 =	simm.s32 $0x10  }
0x92: {  	[smem:s4], [sflag:s15] =	dma.local [hbm:s2], $0x1  }
0x93: {  	_ =	swait.eq [sflag:s15], $0x1  }
0x94: {  	[sflag:s15] =	ssyncset.done $0x0  }
0x95: {  	[sflag:s15] =	ssyncadd.s32 $0xFFFFFFFF  }
0x96: {  	s16 =	sld [smem:$0x10];
	(tm) =	ssettm $0x1  }
0x97: {  	s17 =	sld [smem:$0x3FFB];
	_ =	sdelay $0x3  }
0x98: {  	_ =	strace s17  }
0x99: {  	s3 =	sld [smem:$0x3FFC];
	_ =	sdelay $0x3  }
0x9a: {  	_ =	strace s3  }
0x9b: {  	s3 =	sld [smem:$0x3FFD];
	_ =	sdelay $0x3  }
0x9c: {  	_ =	strace s3  }
0x9d: {  	_ =	strace $0x8FFFFFFF  }
0x9e: {  	s18 =	sld [smem:$0x3FDB];
	_ =	sdelay $0x1  }
0x9f: {  	s19 =	simm.s32 $_scs_section_size  }
0xa0: {  	s5 =	simm.s32 $_size__tile_overlayer_lowered;
	s6 =	simm.s32 $_tile_overlayer_lowered  }
0xa1: {  	s22 =	simm.s32 $0x1BFF;
	s21 =	sshll.u32 s6, $0x1;
	s3 =	sadd.s32 s19, s18  }
0xa2: {  	s7 =	simm.s32 $0x0;
	s20 =	sshll.u32 s5, $0x1;
	s5 =	sadd.s32 s21, s3  }
0xa3: {  	[timem:s7], [sflag:s22] =	dma.local [hbm:s5], s20  }
0xa4: {  	_ =	swait.ge [sflag:s22], s20  }
0xa5: {  	s4 =	ssub.s32 $0x0, s20;
	[sflag:s22] =	ssyncset.done $0x0  }
0xa6: {  	[sflag:s22] =	ssyncadd.s32 s4;
	_ =	sdelay $0x1  }
0xa7: {  	s23 =	simm.s32 $0x1B8B  }
0xa8: {  	_ =	swait.ge [sflag:s23], $0x1  }
0xa9: {  	[sflag:s23] =	ssyncset.done $0x0  }
0xaa: {  	s25 =	simm.s32 $0x1B8E;
	s24 =	sld [smem:$0x3FFE];
	[sflag:s23] =	ssyncadd.s32 $0xFFFFFFFF  }
0xab: {  	s26 =	simm.s32 $execute0_lowered;
	[smem:$0x3FD2] =	sst s25  }
0xac: {  	s5 =	sshll.u32 s26, $0x1;
	_ =	strace $0x80000049;
	[dreg:$0x1] =	wrdreg $0xFFFFFFFF  }
0xad: {  	s28 =	simm.s32 $_size_execute0_lowered;
	s3 =	sadd.s32 s3, s5;
	[dreg:$0x0] =	wrdreg $0x0  }
0xae: {  	s5 =	sshll.u32 s28, $0x1;
	[dreg:$0x2] =	wrdreg s3  }
0xaf: {  	[dreg:$0x3] =	wrdreg s5  }
0xb0: {  	[dreg:$0x4] =	wrdreg $0xC0  }
0xb1: {  	_ =	task [dreg:s7], $0x5FFFF  }
0xb2: {  	[dreg:$0x1] =	wrdreg $0xFFFFFFFF  }
0xb3: {  	[dreg:$0x0] =	wrdreg $0x60  }
0xb4: {  	[dreg:$0x2] =	wrdreg s24  }
0xb5: {  	[dreg:$0x3] =	wrdreg s16  }
0xb6: {  	[dreg:$0x4] =	wrdreg $0x68000  }
0xb7: {  	[dreg:$0x5] =	wrdreg $0x9  }
0xb8: {  	_ =	task.clear_ibuf [dreg:s7], $0x6FFFF;
	_ =	strace $0x90000049  }
0xb9: {  	s29 =	simm.s32 $0x9;
	_ =	strace $0x8000004B  }
0xba: {  	_ =	swait.ge [sflag:s29], $0x1  }
0xbb: {  	[sflag:s29] =	ssyncadd.s32 $0xFFFFFFFF  }
0xbc: {  	_ =	strace $0x9000004B  }
0xbd: {  	_ =	sfence  }
0xbe: {  	s30 =	sld [smem:$0x0];
	_ =	sdelay $0x2  }
0xbf: {  	s31 =	sshll.u32 s1, $0xD;
	s1 =	sshrl.u32 s1, $0x2  }
0xc0: {  	s3 =	sand.u32 $0x4000, s31;
	s1 =	sadd.s32 s1, s30  }
0xc1: {  	s0 =	sor.u32 s3, s0;
	s1 =	sshll.u32 s1, $0x11  }
0xc2: {  	s0 =	sor.u32 s1, s0  }
0xc3: {  	s0 =	sadd.s32 $0x8F2B, s0  }
0xc4: {  	[sflag:s0] =	ssyncadd.remote.s32 $0x1  }
0xc5: {  	_ =	sfence.sel $0xFFFF  }
0xc6: {  	[dreg:$0x0] =	wrdreg $0xFFFFFFFF;
	(pc) =	sbr.abs _section_cstart, $3  }
0xc7: {  	[dreg:$0x1] =	wrdreg $0xFFFFFFFF  }
0xc8: {  	_ =	task.clear_ibuf [dreg:s7], $0x2FFFF;
	_ =	strace $0x9FFFFFFF  }
0xc9: {  	(tm) =	ssettm $0x7FFFFFFF  }
tec
execute0_lowered:
.L_overlay_start_1:
0x0: {  	(tag) =	ssettag $0x1  }
0x1: {  	s5 =	rddreg [dreg:$0x0]  }
0x2: {  	s12 =	rddreg [dreg:$0x1]  }
0x3: {  	s0 =	srdreg.scid;
	s2 =	rddreg [dreg:$0x2];
	s3 =	simm.s32 $0x0  }
0x4: {  	s15 =	simm.s32 $0x5;
	s16 =	simm.s32 $0x1400;
	s17 =	simm.s32 $0x80  }
0x5: {  	s18 =	simm.s32 $0x1;
	s19 =	simm.s32 $0x4800;
	s20 =	simm.s32 $0x2  }
0x6: {  	s21 =	simm.s32 $0x1480;
	s22 =	simm.s32 $0x3;
	s23 =	simm.s32 $0x100  }
0x7: {  	s24 =	simm.s32 $0x4;
	s6 =	sand.u32 $0x1, s0;
	s0 =	stileid.u32  }
0x8: {  	s25 =	simm.s32 $0x0;
	[smem:$0x7FF] =	sst s3;
	s8 =	smul.u32 $0x28000, s0  }
0x9: {  	s1 =	sshll.u32 s6, $0x4;
	s29 =	ssub.s32 $0x2, s6;
	s9 =	smul.u32 $0xA000, s0  }
0xa: {  	s13 =	smul.u32 $0xA0000, s6;
	s4 =	sor.u32 s0, s1;
	s1 =	rddreg [dreg:$0x3]  }
0xb: {  	_ =	strace $0x8000004A;
	s31 =	sshrl.u32 s29, $0x1;
	s7 =	smul.u32 $0x280, s4  }
0xc: {  	s4 =	sadd.s32 $0xB600, s5;
	s30 =	sshrl.u32 s8, $0x2;
	s14 =	ssub.s32 s29, s31  }
.Ltmp0:
0xd: {  	s13 =	sadd.s32 s9, s13;
	s10 =	sadd.s32 s30, s2;
	(pc) =	sbr.rel .LBB2_1-.Ltmp0, $4  }
0xe: {  	s13 =	sshrl.u32 s13, $0x3;
	s11 =	sadd.s32 s7, s5;
	s5 =	sadd.s32 s9, s2  }
0xf: {  	s6 =	sadd.s32 $0x2000, s10;
	s7 =	sadd.s32 $0x4000, s10;
	s8 =	sadd.s32 $0x6000, s10  }
0x10: {  	s9 =	sadd.s32 $0x8000, s10;
	s12 =	sadd.s32 s12, s13;
	s13 =	smax.u32 s14, $0x1  }
0x11: {  	v0 =	vimm.f32 $0.0e+00;
	s14 =	simm.s32 $0x2800;
	s10 =	sadd.s32 $0x6600, s11;
	s11 =	sadd.s32 $0x1600, s11  }
.LBB2_6:
0x12: {  	_ =	swait.ge [sflag:s24], $0x2000  }
0x13: {  	s26 =	sshll.u32 s0, $0x6;
	s25 =	sadd.s32 $0x1, s25;
	[sflag:s24] =	ssyncset.done $0x0  }
0x14: {  	s28 =	sshrl.u32 s5, $0x3;
	p0 =	sne.s32 s25, s13;
	[sflag:s24] =	ssyncadd.s32 $0xFFFFE000  }
.Ltmp1:
0x15: {  	s26 =	sor.u32 $0x1C05, s26;
	[bflag:$0x0] =	sbarrier.arrive $0xFFFF;
	(pc) =	sbr.rel @!p0 .LBB2_7-.Ltmp1, $4  }
0x16: {  	[hbm:s12], [sflag:s26] =	dma.local [spmem:s28], $0x1400  }
0x17: {  	_ =	swait.ge [sflag:s15], $0x1400  }
0x18: {  	[sflag:s15] =	ssyncset.done $0x0  }
0x19: {  	[sflag:s15] =	ssyncadd.s32 $0xFFFFEC00  }
.LBB2_1:
0x1a: {  	s26 =	simm.s32 $0x1;
	[tilespmem:s14+$0x0] =	vst v0;
	s28 =	simm.s32 $0x2800  }
.LBB2_2:
0x1b: {  	p0 =	sne.s32 s26, $0x1FF  }
.Ltmp2:
0x1c: {  	_ = 	snop;
	(pc) =	sbr.rel @p0 .LBB2_2-.Ltmp2, $3  }
0x1d: {  	_ =	sdelay $0x1  }
0x1e: {  	s26 =	sadd.s32 $0x1, s26;
	s28 =	sadd.s32 $0x10, s28  }
0x1f: {  	[tilespmem:s28+$0x0] =	vst v0  }
0x20: {  	[spmem:s5] =	stream.linear.scatter [tilespmem:s14], [sflag:$0x5], $0x2000, $0x38;
	[tilespmem:$0x10800] =	vst v63  }
0x21: {  	_ =	swait.ge [sflag:s15], $0x2000  }
0x22: {  	[sflag:s15] =	ssyncset.done $0x0  }
0x23: {  	[sflag:s15] =	ssyncadd.s32 $0xFFFFE000  }
0x24: {  	[spmem:s6] =	stream.linear.scatter [tilespmem:s14], [sflag:$0x5], $0x2000, $0x38;
	[tilespmem:$0x10800] =	vst v63  }
0x25: {  	_ =	swait.ge [sflag:s15], $0x2000  }
0x26: {  	[sflag:s15] =	ssyncset.done $0x0  }
0x27: {  	[sflag:s15] =	ssyncadd.s32 $0xFFFFE000  }
0x28: {  	[spmem:s7] =	stream.linear.scatter [tilespmem:s14], [sflag:$0x5], $0x2000, $0x38;
	[tilespmem:$0x10800] =	vst v63  }
0x29: {  	_ =	swait.ge [sflag:s15], $0x2000  }
0x2a: {  	[sflag:s15] =	ssyncset.done $0x0  }
0x2b: {  	[sflag:s15] =	ssyncadd.s32 $0xFFFFE000  }
0x2c: {  	[spmem:s8] =	stream.linear.scatter [tilespmem:s14], [sflag:$0x5], $0x2000, $0x38;
	[tilespmem:$0x10800] =	vst v63  }
0x2d: {  	_ =	swait.ge [sflag:s15], $0x2000  }
0x2e: {  	[sflag:s15] =	ssyncset.done $0x0  }
0x2f: {  	[sflag:s15] =	ssyncadd.s32 $0xFFFFE000  }
0x30: {  	[spmem:s9] =	stream.linear.scatter [tilespmem:s14], [sflag:$0x5], $0x2000, $0x38;
	[tilespmem:$0x10800] =	vst v63  }
0x31: {  	_ =	swait.ge [sflag:s15], $0x2000  }
0x32: {  	[sflag:s15] =	ssyncset.done $0x0  }
0x33: {  	[sflag:s15] =	ssyncadd.s32 $0xFFFFE000  }
0x34: {  	[bflag:$0x0] =	sbarrier.arrive $0xFFFF  }
0x35: {  	[tilespmem:s3], [sflag:$0x5] =	stream.linear.gather [hbm4b:s10+s3], $0x1400, $0x38;
	[tilespmem:$0x10800] =	vst v63  }
0x36: {  	_ =	swait.ge [sflag:s15], $0x1400  }
0x37: {  	[sflag:s15] =	ssyncset.done $0x0  }
0x38: {  	[sflag:s15] =	ssyncadd.s32 $0xFFFFEC00  }
0x39: {  	[tilespmem:s16], [sflag:$0x5] =	stream.linear.gather [hbm4b:s11+s3], $0x1400, $0x38;
	[tilespmem:$0x10800] =	vst v63  }
0x3a: {  	_ =	swait.ge [sflag:s15], $0x1400  }
0x3b: {  	[sflag:s15] =	ssyncset.done $0x0  }
0x3c: {  	[sflag:s15] =	ssyncadd.s32 $0xFFFFEC00  }
0x3d: {  	[tilespmem:s14], [sflag:$0x1] =	stream.indirect.gather [hbm4b:s4+s17], $0x40, s3, s17, $0xb8;
	[tilespmem:$0x10800] =	vst v63  }
0x3e: {  	_ =	swait.ge [sflag:s18], $0x2000  }
0x3f: {  	[sflag:s18] =	ssyncset.done $0x0  }
0x40: {  	[sflag:s18] =	ssyncadd.s32 $0xFFFFE000  }
0x41: {  	[spmem:s2] =	stream.indirect.scatter.add.f32 [tilespmem:s14], [sflag:$0x3], $0x40, s16, s17, $0xb8;
	[tilespmem:$0x10800] =	vst v63  }
0x42: {  	_ = 	snop  }
0x43: {  	[tilespmem:s19], [sflag:$0x2] =	stream.indirect.gather [hbm4b:s4+s17], $0x40, s17, s17, $0xb8;
	[tilespmem:$0x10800] =	vst v63  }
0x44: {  	_ =	swait.ge [sflag:s20], $0x2000  }
0x45: {  	[sflag:s20] =	ssyncset.done $0x0  }
0x46: {  	[sflag:s20] =	ssyncadd.s32 $0xFFFFE000  }
0x47: {  	[spmem:s2] =	stream.indirect.scatter.add.f32 [tilespmem:s19], [sflag:$0x4], $0x40, s21, s17, $0xb8;
	[tilespmem:$0x10800] =	vst v63  }
0x48: {  	_ =	swait.ge [sflag:s22], $0x2000  }
0x49: {  	[sflag:s22] =	ssyncset.done $0x0  }
0x4a: {  	s26 =	simm.s32 $0xFFFFB800;
	[sflag:s22] =	ssyncadd.s32 $0xFFFFE000  }
0x4b: {  	[tilespmem:s14], [sflag:$0x1] =	stream.indirect.gather [hbm4b:s4+s17], $0x40, s23, s17, $0xb8;
	[tilespmem:$0x10800] =	vst v63  }
.LBB2_4:
0x4c: {  	_ =	swait.ge [sflag:s18], $0x2000  }
0x4d: {  	s28 =	sshra.s32 s26, $0x2;
	[sflag:s18] =	ssyncset.done $0x0  }
0x4e: {  	s29 =	sadd.s32 $0x2700, s28;
	[sflag:s18] =	ssyncadd.s32 $0xFFFFE000  }
0x4f: {  	[spmem:s2] =	stream.indirect.scatter.add.f32 [tilespmem:s14], [sflag:$0x3], $0x40, s29, s17, $0xb8;
	[tilespmem:$0x10800] =	vst v63  }
0x50: {  	_ =	swait.ge [sflag:s24], $0x2000  }
0x51: {  	[sflag:s24] =	ssyncset.done $0x0  }
0x52: {  	s30 =	sadd.s32 $0x1380, s28;
	[sflag:s24] =	ssyncadd.s32 $0xFFFFE000  }
0x53: {  	[tilespmem:s19], [sflag:$0x2] =	stream.indirect.gather [hbm4b:s4+s17], $0x40, s30, s17, $0xb8;
	[tilespmem:$0x10800] =	vst v63  }
0x54: {  	_ =	swait.ge [sflag:s20], $0x2000  }
0x55: {  	p0 =	seq.s32 s26, $0x0;
	[sflag:s20] =	ssyncset.done $0x0  }
.Ltmp3:
0x56: {  	s31 =	sadd.s32 $0x2780, s28;
	[sflag:s20] =	ssyncadd.s32 $0xFFFFE000;
	(pc) =	sbr.rel @p0 .LBB2_6-.Ltmp3, $4  }
0x57: {  	[spmem:s2] =	stream.indirect.scatter.add.f32 [tilespmem:s19], [sflag:$0x4], $0x40, s31, s17, $0xb8;
	[tilespmem:$0x10800] =	vst v63  }
0x58: {  	_ =	swait.ge [sflag:s22], $0x2000  }
0x59: {  	[sflag:s22] =	ssyncset.done $0x0  }
0x5a: {  	[sflag:s22] =	ssyncadd.s32 $0xFFFFE000  }
.Ltmp4:
0x5b: {  	(pc) =	sbr.rel .LBB2_4-.Ltmp4, $3  }
0x5c: {  	_ =	sdelay $0x1  }
0x5d: {  	s28 =	sadd.s32 $0x1400, s28;
	s26 =	sadd.s32 $0x400, s26  }
0x5e: {  	[tilespmem:s14], [sflag:$0x1] =	stream.indirect.gather [hbm4b:s4+s17], $0x40, s28, s17, $0xb8;
	[tilespmem:$0x10800] =	vst v63  }
.LBB2_7:
0x5f: {  	_ =	sfence.sel $0x180000  }
0x60: {  	[bflag:$0x0] =	sbarrier.arrive $0xFFFF  }
0x61: {  	p0 =	sne.s32 s0, $0x0;
	_ =	strace $0x9000004A  }
0x62: {  	s0 =	sadd.s32 @!p0 $0x100000, s1;
	[bflag:$0x2] =	sbarrier.arrive $0xFFFF  }
0x63: {  	[sflag:s0] =	ssyncadd.tile.s32 @!p0 $0x1;
	_ =	shalt  }
.Lfunc_end2:
_tile_overlayer_lowered:
.L_overlay_start_2:
0x64: {  	(tag) =	ssettag $0x2  }
0x65: {  	s0 =	rddreg [dreg:$0x0];
	s2 =	stileid.u32  }
0x66: {  	s1 =	rddreg [dreg:$0x1];
	p0 =	sne.s32 s2, $0x0  }
0x67: {  	s3 =	rddreg [dreg:$0x2];
	[bflag:$0x3] =	sbarrier.arrive $0xFFFF;
	s2 =	simm.s32 @!p0 $0x1C05  }
0x68: {  	[timem:s3], [sflag:s2] =	dma.local @!p0 [hbm:s0], s1  }
0x69: {  	s0 =	simm.s32 @!p0 $0x5  }
0x6a: {  	_ =	swait.ge @!p0 [sflag:s0], s1  }
0x6b: {  	s1 =	ssub.s32 @!p0 $0x0, s1;
	[sflag:s0] =	ssyncset.done @!p0 $0x0  }
0x6c: {  	[sflag:s0] =	ssyncadd.s32 @!p0 s1  }
0x6d: {  	[bflag:$0x3] =	sbarrier.arrive $0xFFFF  }
0x6e: {  	_ =	shalt  }

// kernel: kernel.8.cloned.1.call-start
scs
__scs_entry_jumppad:
0x0: {  	(pc) =	sbr.rel $0x88, $3  }
0x1: {  	(tag) =	ssettag $0x0;
	lr =	simm.s32 $0x1  }
0x2: {  	[smem:$0x3F95] =	sst lr;
	_ =	strace $0xD0000000  }
0x3: {  	_ = 	snop  }
0x4: {  	_ = 	snop  }
0x5: {  	_ = 	snop  }
0x6: {  	_ = 	snop  }
0x7: {  	_ = 	snop  }
__scs_overlays_trampoline_lowered:
0x8: {  	[smem:$0x3FA4] =	sst s0  }
0x9: {  	[smem:$0x3FA5] =	sst s1  }
0xa: {  	[smem:$0x3FA6] =	sst s2  }
0xb: {  	[smem:$0x3FA7] =	sst s3  }
0xc: {  	[smem:$0x3FA8] =	sst s4  }
0xd: {  	[smem:$0x3FA9] =	sst s5  }
0xe: {  	[smem:$0x3FAA] =	sst s6  }
0xf: {  	[smem:$0x3FAB] =	sst s7  }
0x10: {  	[smem:$0x3FAC] =	sst s8  }
0x11: {  	[smem:$0x3FAD] =	sst s9;
	s0 =	simm.s32 @!p0 $0x0  }
0x12: {  	s1 =	sld [smem:$0x3F93];
	s0 =	simm.s32 @p0 $0x1  }
0x13: {  	[smem:$0x3FAE] =	sst s0;
	s0 =	simm.s32 @!p1 $0x0  }
0x14: {  	s2 =	sld [smem:$0x3F92];
	s0 =	simm.s32 @p1 $0x1  }
0x15: {  	[smem:$0x3FAF] =	sst s0;
	s0 =	simm.s32 @!p2 $0x0  }
0x16: {  	s3 =	sld [smem:$0x3FDB];
	s0 =	simm.s32 @p2 $0x1  }
0x17: {  	s4 =	simm.s32 $0x1BF5;
	[smem:$0x3FB1] =	sst s0  }
0x18: {  	s0 =	sld [smem:$0x3F94];
	_ =	swait.ge [sflag:s4], $0x0  }
0x19: {  	s7 =	sld [smem:$0x3F95]  }
0x1a: {  	s8 =	sadd.s32 $0xFFFFE003, lr  }
0x1b: {  	s9 =	sadd.s32 $0xFFFFFEF7, lr;
	s5 =	simm.s32 $0xFFFFFFFF;
	p2 =	slt.u32 s8, $0xFFFFF086  }
0x1c: {  	p1 =	slt.u32 s9, $0xF7A;
	s5 =	simm.s32 @!p2 $0x0  }
0x1d: {  	s5 =	simm.s32 @p1 $0x1;
	p0 =	seq.s32 s7, s2  }
0x1e: {  	s7 =	smul.u32 @!p0 $0xF7A, s2;
	p2 =	seq.s32 @!p0 s5, $0x0  }
0x1f: {  	s9 =	smul.u32 $0xF7A, s1;
	s8 =	simm.s32 @!p0 $0x1BF5;
	p2 =	por !p2, p0  }
0x20: {  	[sflag:s8] =	ssyncset.s32 @!p0 $0xFFFFF086;
	s6 =	sadd.s32 @!p0 s3, s7;
	s7 =	simm.s32 @!p0 $0x108  }
0x21: {  	s3 =	sadd.s32 s3, s9;
	s6 =	sadd.s32 @!p0 $0x88, s6;
	s7 =	simm.s32 @p2 $0x1082  }
0x22: {  	[simem:s7], [sflag:s8] =	dma.local @!p0 [hbm:s6], $0xF7A  }
0x23: {  	s9 =	sor.u32 $0xD0000000, s2;
	s6 =	simm.s32 $0x108;
	_ =	swait.ge @!p0 [sflag:s8], $0x0  }
0x24: {  	s3 =	sadd.s32 $0x88, s3;
	s6 =	simm.s32 @!p1 $0x1082;
	[sflag:s4] =	ssyncset.s32 $0xFFFFF086  }
0x25: {  	[simem:s6], [sflag:s4] =	dma.local [hbm:s3], $0xF7A  }
0x26: {  	[smem:$0x3F95] =	sst s1;
	(tag) =	ssettag s2;
	_ =	strace s9  }
0x27: {  	s1 =	sld [smem:$0x3FA5]  }
0x28: {  	s2 =	sld [smem:$0x3FA6]  }
0x29: {  	s4 =	sld [smem:$0x3FA8]  }
0x2a: {  	p0 =	seq.s32 s5, $0x0;
	s5 =	sld [smem:$0x3FA9]  }
0x2b: {  	s6 =	sld [smem:$0x3FAA]  }
0x2c: {  	s7 =	sld [smem:$0x3FAB]  }
0x2d: {  	s3 =	simm.s32 $0x108;
	s8 =	sld [smem:$0x3FAC]  }
0x2e: {  	s3 =	simm.s32 @!p0 $0x1082;
	s9 =	sld [smem:$0x3FAD]  }
0x2f: {  	lr =	sadd.s32 s0, s3;
	s0 =	sld [smem:$0x3FA4]  }
0x30: {  	s3 =	sld [smem:$0x3FA7]  }
0x31: {  	[smem:$0x3FB0] =	sst s10  }
0x32: {  	s10 =	sld [smem:$0x3FAE];
	_ =	sdelay $0x3  }
0x33: {  	p0 =	seq.s32 s10, $0x1;
	s10 =	sld [smem:$0x3FB0];
	_ =	sdelay $0x3  }
0x34: {  	[smem:$0x3FB0] =	sst s10  }
0x35: {  	s10 =	sld [smem:$0x3FAF];
	_ =	sdelay $0x3  }
0x36: {  	p1 =	seq.s32 s10, $0x1;
	s10 =	sld [smem:$0x3FB0];
	_ =	sdelay $0x3  }
0x37: {  	[smem:$0x3FB0] =	sst s10  }
0x38: {  	s10 =	sld [smem:$0x3FB1]  }
0x39: {  	_ = 	snop;
	(pc) =	sbr.ind lr, $3  }
0x3a: {  	_ = 	snop  }
0x3b: {  	_ = 	snop  }
0x3c: {  	p2 =	seq.s32 s10, $0x1;
	s10 =	sld [smem:$0x3FB0]  }
0x3d: {  	_ =	shalt  }
0x3e: {  	_ =	shalt  }
0x3f: {  	_ =	shalt  }
0x40: {  	_ =	shalt  }
0x41: {  	_ =	shalt  }
0x42: {  	_ =	shalt  }
0x43: {  	_ =	shalt  }
0x44: {  	_ =	shalt  }
0x45: {  	_ =	shalt  }
0x46: {  	_ =	shalt  }
0x47: {  	_ =	shalt  }
0x48: {  	_ =	shalt  }
0x49: {  	_ =	shalt  }
0x4a: {  	_ =	shalt  }
0x4b: {  	_ =	shalt  }
0x4c: {  	_ =	shalt  }
0x4d: {  	_ =	shalt  }
0x4e: {  	_ =	shalt  }
0x4f: {  	_ =	shalt  }
0x50: {  	_ =	shalt  }
0x51: {  	_ =	shalt  }
0x52: {  	_ =	shalt  }
0x53: {  	_ =	shalt  }
0x54: {  	_ =	shalt  }
0x55: {  	_ =	shalt  }
0x56: {  	_ =	shalt  }
0x57: {  	_ =	shalt  }
0x58: {  	_ =	shalt  }
0x59: {  	_ =	shalt  }
0x5a: {  	_ =	shalt  }
0x5b: {  	_ =	shalt  }
0x5c: {  	_ =	shalt  }
0x5d: {  	_ =	shalt  }
0x5e: {  	_ =	shalt  }
0x5f: {  	_ =	shalt  }
0x60: {  	_ =	shalt  }
0x61: {  	_ =	shalt  }
0x62: {  	_ =	shalt  }
0x63: {  	_ =	shalt  }
0x64: {  	_ =	shalt  }
0x65: {  	_ =	shalt  }
0x66: {  	_ =	shalt  }
0x67: {  	_ =	shalt  }
0x68: {  	_ =	shalt  }
0x69: {  	_ =	shalt  }
0x6a: {  	_ =	shalt  }
0x6b: {  	_ =	shalt  }
0x6c: {  	_ =	shalt  }
0x6d: {  	_ =	shalt  }
0x6e: {  	_ =	shalt  }
0x6f: {  	_ =	shalt  }
0x70: {  	_ =	shalt  }
0x71: {  	_ =	shalt  }
0x72: {  	_ =	shalt  }
0x73: {  	_ =	shalt  }
0x74: {  	_ =	shalt  }
0x75: {  	_ =	shalt  }
0x76: {  	_ =	shalt  }
0x77: {  	_ =	shalt  }
0x78: {  	_ =	shalt  }
0x79: {  	_ =	shalt  }
0x7a: {  	_ =	shalt  }
0x7b: {  	_ =	shalt  }
0x7c: {  	_ =	shalt  }
0x7d: {  	_ =	shalt  }
0x7e: {  	_ =	shalt  }
0x7f: {  	_ =	shalt  }
0x80: {  	_ =	shalt  }
0x81: {  	_ =	shalt  }
0x82: {  	_ =	shalt  }
0x83: {  	_ =	shalt  }
0x84: {  	_ =	shalt  }
0x85: {  	_ =	shalt  }
0x86: {  	_ =	shalt  }
0x87: {  	_ =	shalt  }
.Lfunc_end0:
.L_simem_size_0:
called_computation_lowered:
.L_overlay_start_0:
0x88: {  	s2 =	sld [smem:$0x3FD9]  }
0x89: {  	s3 =	sld [smem:$0x3FFE];
	_ =	sdelay $0x1  }
0x8a: {  	s1 =	srdreg.scid  }
0x8b: {  	s0 =	sand.u32 $0x1, s1  }
0x8c: {  	s14 =	sshll.u32 s0, $0xA;
	s2 =	sadd.s32 s3, s2  }
0x8d: {  	s2 =	sadd.s32 s2, s14  }
0x8e: {  	[smem:$0x3FBC] =	sst s2  }
0x8f: {  	_ = 	snop  }
0x90: {  	s2 =	sld [smem:$0x3FD0];
	_ =	sdelay $0x2  }
0x91: {  	s4 =	simm.s32 $0xA;
	s5 =	simm.s32 $0x10;
	s15 =	sld [smem:$0x3FC9]  }
0x92: {  	[smem:s5], [sflag:s4] =	dma.local [hbm:s2], $0x1  }
0x93: {  	_ =	swait.eq [sflag:s4], $0x1  }
0x94: {  	[sflag:s4] =	ssyncset.done $0x0  }
0x95: {  	[sflag:s4] =	ssyncadd.s32 $0xFFFFFFFF  }
0x96: {  	s16 =	sld [smem:$0x10];
	(tm) =	ssettm $0x1  }
0x97: {  	s17 =	sld [smem:$0x3FFB];
	_ =	sdelay $0x3  }
0x98: {  	_ =	strace s17  }
0x99: {  	s4 =	sld [smem:$0x3FFC];
	_ =	sdelay $0x3  }
0x9a: {  	_ =	strace s4  }
0x9b: {  	s4 =	sld [smem:$0x3FFD];
	_ =	sdelay $0x3  }
0x9c: {  	_ =	strace s4  }
0x9d: {  	_ =	strace $0x8FFFFFFF  }
0x9e: {  	s18 =	sld [smem:$0x3FDB];
	_ =	sdelay $0x1  }
0x9f: {  	s19 =	simm.s32 $_scs_section_size  }
0xa0: {  	s6 =	simm.s32 $_size__tile_overlayer_lowered;
	s7 =	simm.s32 $_tile_overlayer_lowered  }
0xa1: {  	s22 =	simm.s32 $0x1BFF;
	s21 =	sshll.u32 s7, $0x1;
	s4 =	sadd.s32 s19, s18  }
0xa2: {  	s8 =	simm.s32 $0x0;
	s20 =	sshll.u32 s6, $0x1;
	s6 =	sadd.s32 s21, s4  }
0xa3: {  	[timem:s8], [sflag:s22] =	dma.local [hbm:s6], s20  }
0xa4: {  	_ =	swait.ge [sflag:s22], s20  }
0xa5: {  	s5 =	ssub.s32 $0x0, s20;
	[sflag:s22] =	ssyncset.done $0x0  }
0xa6: {  	[sflag:s22] =	ssyncadd.s32 s5;
	_ =	sdelay $0x1  }
0xa7: {  	s23 =	simm.s32 $0x1B8B  }
0xa8: {  	_ =	swait.ge [sflag:s23], $0x1  }
0xa9: {  	[sflag:s23] =	ssyncset.done $0x0  }
0xaa: {  	s25 =	simm.s32 $0x1B8E;
	s24 =	sld [smem:$0x3FFE];
	[sflag:s23] =	ssyncadd.s32 $0xFFFFFFFF  }
0xab: {  	s26 =	simm.s32 $execute0_lowered;
	[smem:$0x3FD2] =	sst s25  }
0xac: {  	s6 =	sshll.u32 s26, $0x1;
	_ =	strace $0x80000046;
	[dreg:$0x1] =	wrdreg $0xFFFFFFFF  }
0xad: {  	s28 =	simm.s32 $_size_execute0_lowered;
	s4 =	sadd.s32 s4, s6;
	[dreg:$0x0] =	wrdreg $0x0  }
0xae: {  	s6 =	sshll.u32 s28, $0x1;
	[dreg:$0x2] =	wrdreg s4  }
0xaf: {  	[dreg:$0x3] =	wrdreg s6  }
0xb0: {  	[dreg:$0x4] =	wrdreg $0xC0  }
0xb1: {  	_ =	task [dreg:s8], $0x5FFFF  }
0xb2: {  	[dreg:$0x1] =	wrdreg $0xFFFFFFFF  }
0xb3: {  	[dreg:$0x0] =	wrdreg $0x60  }
0xb4: {  	[dreg:$0x2] =	wrdreg s15  }
0xb5: {  	[dreg:$0x3] =	wrdreg s24  }
0xb6: {  	[dreg:$0x4] =	wrdreg s16  }
0xb7: {  	[dreg:$0x5] =	wrdreg $0xA8000  }
0xb8: {  	[dreg:$0x6] =	wrdreg $0x9  }
0xb9: {  	_ =	task.clear_ibuf [dreg:s8], $0x7FFFF;
	_ =	strace $0x90000046  }
0xba: {  	s29 =	simm.s32 $0x9;
	_ =	strace $0x80000048  }
0xbb: {  	_ =	swait.ge [sflag:s29], $0x1  }
0xbc: {  	[sflag:s29] =	ssyncadd.s32 $0xFFFFFFFF  }
0xbd: {  	_ =	strace $0x90000048  }
0xbe: {  	_ =	sfence  }
0xbf: {  	s30 =	sld [smem:$0x0];
	_ =	sdelay $0x2  }
0xc0: {  	s31 =	sshll.u32 s1, $0xD;
	s1 =	sshrl.u32 s1, $0x2  }
0xc1: {  	s3 =	sand.u32 $0x4000, s31;
	s1 =	sadd.s32 s1, s30  }
0xc2: {  	s0 =	sor.u32 s3, s0;
	s1 =	sshll.u32 s1, $0x11  }
0xc3: {  	s0 =	sor.u32 s1, s0  }
0xc4: {  	s0 =	sadd.s32 $0x8F2B, s0  }
0xc5: {  	[sflag:s0] =	ssyncadd.remote.s32 $0x1  }
0xc6: {  	_ =	sfence.sel $0xFFFF  }
0xc7: {  	[dreg:$0x0] =	wrdreg $0xFFFFFFFF;
	(pc) =	sbr.abs _section_cstart, $3  }
0xc8: {  	[dreg:$0x1] =	wrdreg $0xFFFFFFFF  }
0xc9: {  	_ =	task.clear_ibuf [dreg:s8], $0x2FFFF;
	_ =	strace $0x9FFFFFFF  }
0xca: {  	(tm) =	ssettm $0x7FFFFFFF  }
0xcb: {  	_ =	shalt  }
tec
execute0_lowered:
.L_overlay_start_1:
0x0: {  	(tag) =	ssettag $0x1  }
0x1: {  	s0 =	rddreg [dreg:$0x0]  }
0x2: {  	s5 =	rddreg [dreg:$0x1]  }
0x3: {  	s12 =	rddreg [dreg:$0x2]  }
0x4: {  	s1 =	srdreg.scid;
	s3 =	rddreg [dreg:$0x3]  }
0x5: {  	s4 =	simm.s32 $0x0;
	s15 =	simm.s32 $0x5;
	s16 =	simm.s32 $0x1400  }
0x6: {  	s17 =	simm.s32 $0x80;
	s18 =	simm.s32 $0x1;
	s19 =	simm.s32 $0x6800  }
0x7: {  	s20 =	simm.s32 $0x2;
	s21 =	simm.s32 $0x1480;
	s22 =	simm.s32 $0x3  }
0x8: {  	s23 =	simm.s32 $0x100;
	s6 =	sand.u32 $0x1, s1;
	s1 =	stileid.u32  }
0x9: {  	s24 =	simm.s32 $0x4;
	s25 =	simm.s32 $0x0;
	s8 =	smul.u32 $0x50000, s1  }
0xa: {  	[smem:$0x7FF] =	sst s4;
	s2 =	sshll.u32 s6, $0x4;
	s9 =	smul.u32 $0x14000, s1  }
0xb: {  	s29 =	ssub.s32 $0x2, s6;
	s13 =	smul.u32 $0x140000, s6;
	s7 =	sor.u32 s1, s2  }
0xc: {  	s2 =	rddreg [dreg:$0x4];
	_ =	strace $0x80000047;
	s31 =	sshrl.u32 s29, $0x1  }
0xd: {  	s7 =	smul.u32 $0x280, s7;
	s30 =	sshrl.u32 s8, $0x2;
	s14 =	ssub.s32 s29, s31  }
.Ltmp0:
0xe: {  	s13 =	sadd.s32 s9, s13;
	s10 =	sadd.s32 s30, s3;
	(pc) =	sbr.rel .LBB2_1-.Ltmp0, $4  }
0xf: {  	s13 =	sshrl.u32 s13, $0x3;
	s11 =	sadd.s32 s7, s5;
	s5 =	sadd.s32 s9, s3  }
0x10: {  	s6 =	sadd.s32 $0x4000, s10;
	s7 =	sadd.s32 $0x8000, s10;
	s8 =	sadd.s32 $0xC000, s10  }
0x11: {  	s9 =	sadd.s32 $0x10000, s10;
	s12 =	sadd.s32 s12, s13;
	s13 =	smax.u32 s14, $0x1  }
0x12: {  	v0 =	vimm.f32 $0.0e+00;
	s14 =	simm.s32 $0x2800;
	s10 =	sadd.s32 $0x6600, s11;
	s11 =	sadd.s32 $0x1600, s11  }
.LBB2_6:
0x13: {  	_ =	swait.ge [sflag:s24], $0x4000  }
0x14: {  	s26 =	sshll.u32 s1, $0x6;
	s25 =	sadd.s32 $0x1, s25;
	[sflag:s24] =	ssyncset.done $0x0  }
0x15: {  	s28 =	sshrl.u32 s5, $0x3;
	p0 =	sne.s32 s25, s13;
	[sflag:s24] =	ssyncadd.s32 $0xFFFFC000  }
.Ltmp1:
0x16: {  	s26 =	sor.u32 $0x1C05, s26;
	[bflag:$0x0] =	sbarrier.arrive $0xFFFF;
	(pc) =	sbr.rel @!p0 .LBB2_7-.Ltmp1, $4  }
0x17: {  	[hbm:s12], [sflag:s26] =	dma.local [spmem:s28], $0x2800  }
0x18: {  	_ =	swait.ge [sflag:s15], $0x2800  }
0x19: {  	[sflag:s15] =	ssyncset.done $0x0  }
0x1a: {  	[sflag:s15] =	ssyncadd.s32 $0xFFFFD800  }
.LBB2_1:
0x1b: {  	s26 =	simm.s32 $0x1;
	[tilespmem:s14+$0x0] =	vst v0;
	s28 =	simm.s32 $0x2800  }
.LBB2_2:
0x1c: {  	p0 =	sne.s32 s26, $0x3FF  }
.Ltmp2:
0x1d: {  	_ = 	snop;
	(pc) =	sbr.rel @p0 .LBB2_2-.Ltmp2, $3  }
0x1e: {  	_ =	sdelay $0x1  }
0x1f: {  	s26 =	sadd.s32 $0x1, s26;
	s28 =	sadd.s32 $0x10, s28  }
0x20: {  	[tilespmem:s28+$0x0] =	vst v0  }
0x21: {  	[spmem:s5] =	stream.linear.scatter [tilespmem:s14], [sflag:$0x5], $0x4000, $0x38;
	[tilespmem:$0x1E800] =	vst v63  }
0x22: {  	_ =	swait.ge [sflag:s15], $0x4000  }
0x23: {  	[sflag:s15] =	ssyncset.done $0x0  }
0x24: {  	[sflag:s15] =	ssyncadd.s32 $0xFFFFC000  }
0x25: {  	[spmem:s6] =	stream.linear.scatter [tilespmem:s14], [sflag:$0x5], $0x4000, $0x38;
	[tilespmem:$0x1E800] =	vst v63  }
0x26: {  	_ =	swait.ge [sflag:s15], $0x4000  }
0x27: {  	[sflag:s15] =	ssyncset.done $0x0  }
0x28: {  	[sflag:s15] =	ssyncadd.s32 $0xFFFFC000  }
0x29: {  	[spmem:s7] =	stream.linear.scatter [tilespmem:s14], [sflag:$0x5], $0x4000, $0x38;
	[tilespmem:$0x1E800] =	vst v63  }
0x2a: {  	_ =	swait.ge [sflag:s15], $0x4000  }
0x2b: {  	[sflag:s15] =	ssyncset.done $0x0  }
0x2c: {  	[sflag:s15] =	ssyncadd.s32 $0xFFFFC000  }
0x2d: {  	[spmem:s8] =	stream.linear.scatter [tilespmem:s14], [sflag:$0x5], $0x4000, $0x38;
	[tilespmem:$0x1E800] =	vst v63  }
0x2e: {  	_ =	swait.ge [sflag:s15], $0x4000  }
0x2f: {  	[sflag:s15] =	ssyncset.done $0x0  }
0x30: {  	[sflag:s15] =	ssyncadd.s32 $0xFFFFC000  }
0x31: {  	[spmem:s9] =	stream.linear.scatter [tilespmem:s14], [sflag:$0x5], $0x4000, $0x38;
	[tilespmem:$0x1E800] =	vst v63  }
0x32: {  	_ =	swait.ge [sflag:s15], $0x4000  }
0x33: {  	[sflag:s15] =	ssyncset.done $0x0  }
0x34: {  	[sflag:s15] =	ssyncadd.s32 $0xFFFFC000  }
0x35: {  	[bflag:$0x0] =	sbarrier.arrive $0xFFFF  }
0x36: {  	[tilespmem:s4], [sflag:$0x5] =	stream.linear.gather [hbm4b:s10+s4], $0x1400, $0x38;
	[tilespmem:$0x1E800] =	vst v63  }
0x37: {  	_ =	swait.ge [sflag:s15], $0x1400  }
0x38: {  	[sflag:s15] =	ssyncset.done $0x0  }
0x39: {  	[sflag:s15] =	ssyncadd.s32 $0xFFFFEC00  }
0x3a: {  	[tilespmem:s16], [sflag:$0x5] =	stream.linear.gather [hbm4b:s11+s4], $0x1400, $0x38;
	[tilespmem:$0x1E800] =	vst v63  }
0x3b: {  	_ =	swait.ge [sflag:s15], $0x1400  }
0x3c: {  	[sflag:s15] =	ssyncset.done $0x0  }
0x3d: {  	[sflag:s15] =	ssyncadd.s32 $0xFFFFEC00  }
0x3e: {  	[tilespmem:s14], [sflag:$0x1] =	stream.indirect.gather [hbm4b:s0+s17], $0x80, s4, s17, $0xb8;
	[tilespmem:$0x1E800] =	vst v63  }
0x3f: {  	_ =	swait.ge [sflag:s18], $0x4000  }
0x40: {  	[sflag:s18] =	ssyncset.done $0x0  }
0x41: {  	[sflag:s18] =	ssyncadd.s32 $0xFFFFC000  }
0x42: {  	[spmem:s3] =	stream.indirect.scatter.add.f32 [tilespmem:s14], [sflag:$0x3], $0x80, s16, s17, $0xb8;
	[tilespmem:$0x1E800] =	vst v63  }
0x43: {  	_ = 	snop  }
0x44: {  	[tilespmem:s19], [sflag:$0x2] =	stream.indirect.gather [hbm4b:s0+s17], $0x80, s17, s17, $0xb8;
	[tilespmem:$0x1E800] =	vst v63  }
0x45: {  	_ =	swait.ge [sflag:s20], $0x4000  }
0x46: {  	[sflag:s20] =	ssyncset.done $0x0  }
0x47: {  	[sflag:s20] =	ssyncadd.s32 $0xFFFFC000  }
0x48: {  	[spmem:s3] =	stream.indirect.scatter.add.f32 [tilespmem:s19], [sflag:$0x4], $0x80, s21, s17, $0xb8;
	[tilespmem:$0x1E800] =	vst v63  }
0x49: {  	_ =	swait.ge [sflag:s22], $0x4000  }
0x4a: {  	[sflag:s22] =	ssyncset.done $0x0  }
0x4b: {  	s26 =	simm.s32 $0xFFFFB800;
	[sflag:s22] =	ssyncadd.s32 $0xFFFFC000  }
0x4c: {  	[tilespmem:s14], [sflag:$0x1] =	stream.indirect.gather [hbm4b:s0+s17], $0x80, s23, s17, $0xb8;
	[tilespmem:$0x1E800] =	vst v63  }
.LBB2_4:
0x4d: {  	_ =	swait.ge [sflag:s18], $0x4000  }
0x4e: {  	s28 =	sshra.s32 s26, $0x2;
	[sflag:s18] =	ssyncset.done $0x0  }
0x4f: {  	s29 =	sadd.s32 $0x2700, s28;
	[sflag:s18] =	ssyncadd.s32 $0xFFFFC000  }
0x50: {  	[spmem:s3] =	stream.indirect.scatter.add.f32 [tilespmem:s14], [sflag:$0x3], $0x80, s29, s17, $0xb8;
	[tilespmem:$0x1E800] =	vst v63  }
0x51: {  	_ =	swait.ge [sflag:s24], $0x4000  }
0x52: {  	[sflag:s24] =	ssyncset.done $0x0  }
0x53: {  	s30 =	sadd.s32 $0x1380, s28;
	[sflag:s24] =	ssyncadd.s32 $0xFFFFC000  }
0x54: {  	[tilespmem:s19], [sflag:$0x2] =	stream.indirect.gather [hbm4b:s0+s17], $0x80, s30, s17, $0xb8;
	[tilespmem:$0x1E800] =	vst v63  }
0x55: {  	_ =	swait.ge [sflag:s20], $0x4000  }
0x56: {  	p0 =	seq.s32 s26, $0x0;
	[sflag:s20] =	ssyncset.done $0x0  }
.Ltmp3:
0x57: {  	s31 =	sadd.s32 $0x2780, s28;
	[sflag:s20] =	ssyncadd.s32 $0xFFFFC000;
	(pc) =	sbr.rel @p0 .LBB2_6-.Ltmp3, $4  }
0x58: {  	[spmem:s3] =	stream.indirect.scatter.add.f32 [tilespmem:s19], [sflag:$0x4], $0x80, s31, s17, $0xb8;
	[tilespmem:$0x1E800] =	vst v63  }
0x59: {  	_ =	swait.ge [sflag:s22], $0x4000  }
0x5a: {  	[sflag:s22] =	ssyncset.done $0x0  }
0x5b: {  	[sflag:s22] =	ssyncadd.s32 $0xFFFFC000  }
.Ltmp4:
0x5c: {  	(pc) =	sbr.rel .LBB2_4-.Ltmp4, $3  }
0x5d: {  	_ =	sdelay $0x1  }
0x5e: {  	s28 =	sadd.s32 $0x1400, s28;
	s26 =	sadd.s32 $0x400, s26  }
0x5f: {  	[tilespmem:s14], [sflag:$0x1] =	stream.indirect.gather [hbm4b:s0+s17], $0x80, s28, s17, $0xb8;
	[tilespmem:$0x1E800] =	vst v63  }
.LBB2_7:
0x60: {  	_ =	sfence.sel $0x180000  }
0x61: {  	[bflag:$0x0] =	sbarrier.arrive $0xFFFF  }
0x62: {  	p0 =	sne.s32 s1, $0x0;
	_ =	strace $0x90000047  }
0x63: {  	s0 =	sadd.s32 @!p0 $0x100000, s2;
	[bflag:$0x2] =	sbarrier.arrive $0xFFFF  }
0x64: {  	[sflag:s0] =	ssyncadd.tile.s32 @!p0 $0x1;
	_ =	shalt  }
.Lfunc_end2:
_tile_overlayer_lowered:
.L_overlay_start_2:
0x65: {  	(tag) =	ssettag $0x2  }
0x66: {  	s0 =	rddreg [dreg:$0x0];
	s2 =	stileid.u32  }
0x67: {  	s1 =	rddreg [dreg:$0x1];
	p0 =	sne.s32 s2, $0x0  }
0x68: {  	s3 =	rddreg [dreg:$0x2];
	[bflag:$0x3] =	sbarrier.arrive $0xFFFF;
	s2 =	simm.s32 @!p0 $0x1C05  }
0x69: {  	[timem:s3], [sflag:s2] =	dma.local @!p0 [hbm:s0], s1  }
0x6a: {  	s0 =	simm.s32 @!p0 $0x5  }
0x6b: {  	_ =	swait.ge @!p0 [sflag:s0], s1  }
0x6c: {  	s1 =	ssub.s32 @!p0 $0x0, s1;
	[sflag:s0] =	ssyncset.done @!p0 $0x0  }
0x6d: {  	[sflag:s0] =	ssyncadd.s32 @!p0 s1  }
0x6e: {  	[bflag:$0x3] =	sbarrier.arrive $0xFFFF  }
0x6f: {  	_ =	shalt  }

</sc_bundles>
